<compile_context>
chip_gen: v7x
topology: tpu7x:2x2x1
jax: 0.10.2.dev20260603
libtpu: 0.0.44.dev20260713+nightly
codegen_flags: <defaults>
</compile_context>

<pallas_src>
import functools

import jax
import jax.numpy as jnp
from jax import lax
from jax.experimental import pallas as pl
from jax.experimental.pallas import tpu as pltpu
from jax.experimental.pallas import tpu_sc as plsc

NC = 2
NS = 16
NW = NC * NS
CH = 125
KB = 16
DLANES = 128


def _deg_body(npad, n_vecs, row16, zeros_hb, deg_out,
              row_v, hist2d, iota_v, acc_sh):
    c = lax.axis_index("c")
    s = lax.axis_index("s")
    wid = c * NS + s
    nrow = npad // DLANES

    @pl.when(s < nrow // 8)
    def _():
        pltpu.sync_copy(zeros_hb.at[pl.ds(s * 8, 8)],
                        acc_sh.at[pl.ds(s * 8, 8)])

    pltpu.sync_copy(row16.at[wid], row_v)

    @pl.loop(0, nrow)
    def _(r):
        @pl.loop(0, DLANES // 16)
        def _(q):
            hist2d[r, pl.ds(q * 16, 16)] = jnp.zeros((16,), jnp.float32)

    @pl.loop(0, nrow // 16)
    def _(q):
        iota_v[pl.ds(q * 16, 16)] = lax.iota(jnp.int32, 16) + q * 16

    ones = jnp.ones((16,), jnp.float32)

    @pl.loop(0, n_vecs)
    def _(j):
        idx = row_v[j, :]
        hi = lax.shift_right_logical(idx, 7)
        lo = lax.bitwise_and(idx, 127)
        plsc.addupdate_scatter(hist2d, [hi, lo], ones)

    plsc.subcore_barrier()
    pltpu.sync_copy(hist2d, acc_sh.at[iota_v], add=True)
    plsc.subcore_barrier()

    @pl.when(s < nrow // 8)
    def _():
        pltpu.sync_copy(acc_sh.at[pl.ds(s * 8, 8)],
                        deg_out.at[c, pl.ds(s * 8, 8)])


def _agg_body(npad, n_chunks, d_in, row2d, col2d, y, zeros, z_out,
              row_v, col_v, g0, g1, z_sh, gsem0, gsem1, ssem0, ssem1):
    c = lax.axis_index("c")
    s = lax.axis_index("s")
    wid = c * NS + s
    npt = npad // NS
    pltpu.sync_copy(zeros.at[pl.ds(s * npt, npt)],
                    z_sh.at[pl.ds(s * npt, npt)])
    plsc.subcore_barrier()

    def wait_gather(buf, sem):
        pltpu.make_async_copy(y.at[col_v.at[0]], buf, sem).wait()

    def wait_scatter(buf, sem):
        pltpu.make_async_copy(buf, z_sh.at[row_v.at[0]], sem).wait()

    def step(j, cur, curg, curs, oth, othg, oths):
        wait_gather(cur, curg)
        pltpu.async_copy(cur, z_sh.at[row_v.at[j]], curs, add=True)

        @pl.when(j + 1 < KB)
        def _():
            @pl.when(j >= 1)
            def _():
                wait_scatter(oth, oths)

            pltpu.async_copy(y.at[col_v.at[j + 1]], oth, othg)

    @pl.loop(0, n_chunks, step=KB)
    def _(jo):
        pltpu.sync_copy(row2d.at[wid, pl.ds(jo, KB)], row_v)
        pltpu.sync_copy(col2d.at[wid, pl.ds(jo, KB)], col_v)
        pltpu.async_copy(y.at[col_v.at[0]], g0, gsem0)

        @pl.loop(0, KB)
        def _(j):
            @pl.when(j % 2 == 0)
            def _():
                step(j, g0, gsem0, ssem0, g1, gsem1, ssem1)

            @pl.when(j % 2 == 1)
            def _():
                step(j, g1, gsem1, ssem1, g0, gsem0, ssem0)

        wait_scatter(g0, ssem0)
        wait_scatter(g1, ssem1)

    plsc.subcore_barrier()
    pltpu.sync_copy(z_sh.at[pl.ds(s * npt, npt)],
                    z_out.at[c, pl.ds(s * npt, npt)])


def _dis_from_deg(dblk):
    deg = dblk[0] + dblk[1]
    return jnp.where(deg > 0.0, lax.rsqrt(deg), 0.0)


def _scale_body(x_ref, deg_ref, y_ref):
    dis = _dis_from_deg(deg_ref[...])
    y_ref[...] = x_ref[...] * dis[:, None]


def _out_body(z_ref, deg_ref, w_ref, b_ref, o_ref):
    z = z_ref[...]
    dis = _dis_from_deg(deg_ref[...])
    agg = (z[0] + z[1]) * dis[:, None]
    acc = lax.dot_general(agg, w_ref[...], (((1,), (1,)), ((), ())),
                          preferred_element_type=jnp.float32)
    o_ref[...] = jnp.maximum(acc + b_ref[...], 0.0)


def kernel(x, edge_index, W, b):
    n, d_in = x.shape
    d_out = W.shape[0]
    e = edge_index.shape[1]
    assert e % (NW * CH) == 0
    ept = e // NW
    n_chunks = ept // CH
    npad = ((n + 1023) // 1024) * 1024

    row2d = edge_index[0].reshape(NW, n_chunks, CH)
    col2d = edge_index[1].reshape(NW, n_chunks, CH)
    n_vecs = ept // 16
    row16 = edge_index[0].reshape(NW, n_vecs, 16)
    nrow = npad // DLANES
    zeros_row = jnp.zeros((nrow, DLANES), jnp.float32)
    zeros_nd = jnp.zeros((npad, d_in), jnp.float32)

    mesh = plsc.VectorSubcoreMesh(core_axis_name="c", subcore_axis_name="s")

    deg = pl.kernel(
        functools.partial(_deg_body, npad, n_vecs),
        out_type=jax.ShapeDtypeStruct((NC, nrow, DLANES), jnp.float32),
        mesh=mesh,
        compiler_params=pltpu.CompilerParams(needs_layout_passes=False),
        scratch_types=[
            pltpu.VMEM((n_vecs, 16), jnp.int32),
            pltpu.VMEM((nrow, DLANES), jnp.float32),
            pltpu.VMEM((nrow,), jnp.int32),
            pltpu.VMEM_SHARED((nrow, DLANES), jnp.float32),
        ],
    )(row16, zeros_row)
    deg2d = deg.reshape(NC, npad)

    rb = 512
    grid = ((n + rb - 1) // rb,)

    y = pl.pallas_call(
        _scale_body,
        grid=grid,
        in_specs=[
            pl.BlockSpec((rb, d_in), lambda i: (i, 0)),
            pl.BlockSpec((NC, rb), lambda i: (0, i)),
        ],
        out_specs=pl.BlockSpec((rb, d_in), lambda i: (i, 0)),
        out_shape=jax.ShapeDtypeStruct((n, d_in), jnp.float32),
    )(x, deg2d)

    z = pl.kernel(
        functools.partial(_agg_body, npad, n_chunks, d_in),
        out_type=jax.ShapeDtypeStruct((NC, npad, d_in), jnp.float32),
        mesh=mesh,
        scratch_types=[
            pltpu.VMEM((KB, CH), jnp.int32),
            pltpu.VMEM((KB, CH), jnp.int32),
            pltpu.VMEM((CH, d_in), jnp.float32),
            pltpu.VMEM((CH, d_in), jnp.float32),
            pltpu.VMEM_SHARED((npad, d_in), jnp.float32),
            pltpu.SemaphoreType.DMA,
            pltpu.SemaphoreType.DMA,
            pltpu.SemaphoreType.DMA,
            pltpu.SemaphoreType.DMA,
        ],
    )(row2d, col2d, y, zeros_nd)

    out = pl.pallas_call(
        _out_body,
        grid=grid,
        in_specs=[
            pl.BlockSpec((NC, rb, d_in), lambda i: (0, i, 0)),
            pl.BlockSpec((NC, rb), lambda i: (0, i)),
            pl.BlockSpec((d_out, d_in), lambda i: (0, 0)),
            pl.BlockSpec((1, d_out), lambda i: (0, 0)),
        ],
        out_specs=pl.BlockSpec((rb, d_out), lambda i: (i, 0)),
        out_shape=jax.ShapeDtypeStruct((n, d_out), jnp.float32),
    )(z, deg2d, W, b.reshape(1, d_out))
    return out

# --- scband reference (transcript-rebuilt; emitter-appended) ---
"""Pipeline reference for scband-gcnlayer-33449205301469 (READ-ONLY COPY).

The authoritative reference and input builder live on the scoring server;
editing this copy changes nothing except your own understanding.
"""

import jax, jax.numpy as jnp
import numpy as np

N = 10000
E = 320000
D_IN = 128
D_OUT = 128


def setup_inputs(seed: int = 0) -> dict:
    key = jax.random.key(seed)
    k1, k2, k3, k4 = jax.random.split(key, 4)
    x = jax.random.normal(k1, (N, D_IN), dtype=jnp.float32)
    edge_index = jax.random.randint(k2, (2, E), 0, N, dtype=jnp.int32)
    W = jax.random.normal(k3, (D_OUT, D_IN), dtype=jnp.float32) * (1.0 / np.sqrt(D_IN))
    b = jax.random.normal(k4, (D_OUT,), dtype=jnp.float32) * 0.01
    return {"x": x, "edge_index": edge_index, "W": W, "b": b}


def reference(x, edge_index, W, b):
    row = edge_index[0]
    col = edge_index[1]
    # degree normalization: deg^{-1/2}, inf -> 0 (matches torch code)
    deg = jnp.bincount(row, length=N).astype(jnp.float32)
    deg_inv_sqrt = jnp.power(deg, -0.5)
    deg_inv_sqrt = jnp.where(jnp.isinf(deg_inv_sqrt), 0.0, deg_inv_sqrt)
    norm = deg_inv_sqrt[row] * deg_inv_sqrt[col]
    # message passing: gather source features, scale by edge norm, scatter-add to dst
    msgs = norm[:, None] * jnp.take(x, col, axis=0)
    agg = jnp.zeros((N, D_IN), dtype=x.dtype).at[row].add(msgs)
    out = agg @ W.T + b
    return jax.nn.relu(out)

if __name__ == "__main__":
    import jax
    _d = setup_inputs()
    print(jax.jit(kernel)(*tuple(_d.values())))

</pallas_src>

<mosaic_0001>
#map = affine_map<(d0, d1) -> (0, 0, 0)>
#map1 = affine_map<(d0, d1) -> (0, 0)>
module attributes {stable_mosaic.version = 14 : i64} {
  func.func @_agg_body(%arg0: i32, %arg1: i32, %arg2: memref<32x80x125xi32, #tpu.memory_space<hbm>>, %arg3: memref<32x80x125xi32, #tpu.memory_space<hbm>>, %arg4: memref<10000x128xf32, #tpu.memory_space<hbm>>, %arg5: memref<10240x128xf32, #tpu.memory_space<hbm>>, %arg6: memref<2x10240x128xf32, #tpu.memory_space<hbm>>, %arg7: memref<16x125xi32, #tpu.memory_space<vmem>>, %arg8: memref<16x125xi32, #tpu.memory_space<vmem>>, %arg9: memref<125x128xf32, #tpu.memory_space<vmem>>, %arg10: memref<125x128xf32, #tpu.memory_space<vmem>>, %arg11: memref<10240x128xf32, #tpu.memory_space<vmem_shared>>, %arg12: memref<!tpu.dma_semaphore, #tpu.memory_space<semaphore_mem>>, %arg13: memref<!tpu.dma_semaphore, #tpu.memory_space<semaphore_mem>>, %arg14: memref<!tpu.dma_semaphore, #tpu.memory_space<semaphore_mem>>, %arg15: memref<!tpu.dma_semaphore, #tpu.memory_space<semaphore_mem>>) attributes {dimension_semantics = [#tpu.dimension_semantics<core_parallel>, #tpu.dimension_semantics<subcore_parallel>], iteration_bounds = array<i64: 2, 16>, scalar_prefetch = 0 : i64, scratch_operands = 9 : i64, tpu.core_type = #tpu.core_type<sc_vector_subcore>, window_params = [{transform_indices = #map}, {transform_indices = #map}, {transform_indices = #map1}, {transform_indices = #map1}, {transform_indices = #map}]} {
    %mul3A = arith.constant 16 : i32
    %mul3A_0 = arith.muli %arg0, %mul3A : i32
    %add3A = arith.addi %mul3A_0, %arg1 : i32
    %mul3A_1 = arith.constant 640 : i32
    %mul3A_2 = arith.muli %arg1, %mul3A_1 : i32
    %mul3A_3 = arith.constant 640 : i32
    %mul3A_4 = arith.muli %arg1, %mul3A_3 : i32
    "tpu.region"() ({
      %run_scoped3A = tpu.sem_alloc : memref<!tpu.dma_semaphore, #tpu.memory_space<semaphore_mem>>
      %dma_start3A = arith.constant 0 : i32
      %dma_start3A_14 = tpu.memref_slice %arg11[%mul3A_4, %dma_start3A] : memref<10240x128xf32, #tpu.memory_space<vmem_shared>> -> memref<640x128xf32, #tpu.memory_space<vmem_shared>>
      %dma_start3A_15 = arith.constant 0 : i32
      %dma_start3A_16 = tpu.memref_slice %arg5[%mul3A_2, %dma_start3A_15] : memref<10240x128xf32, #tpu.memory_space<hbm>> -> memref<640x128xf32, #tpu.memory_space<hbm>>
      tpu.enqueue_dma source(%dma_start3A_16 : memref<640x128xf32, #tpu.memory_space<hbm>>) target(%dma_start3A_14 : memref<640x128xf32, #tpu.memory_space<vmem_shared>>) target_semaphore(%run_scoped3A : memref<!tpu.dma_semaphore, #tpu.memory_space<semaphore_mem>>)
      %dma_wait3A = arith.constant 0 : i32
      %dma_wait3A_17 = tpu.memref_slice %arg11[%mul3A_4, %dma_wait3A] : memref<10240x128xf32, #tpu.memory_space<vmem_shared>> -> memref<640x128xf32, #tpu.memory_space<vmem_shared>>
      %dma_wait3A_18 = arith.constant 0 : i32
      %dma_wait3A_19 = tpu.memref_slice %arg5[%mul3A_2, %dma_wait3A_18] : memref<10240x128xf32, #tpu.memory_space<hbm>> -> memref<640x128xf32, #tpu.memory_space<hbm>>
      tpu.wait_dma2 semaphore(%run_scoped3A : memref<!tpu.dma_semaphore, #tpu.memory_space<semaphore_mem>>) src(%dma_wait3A_19 : memref<640x128xf32, #tpu.memory_space<hbm>>) dst(%dma_wait3A_17 : memref<640x128xf32, #tpu.memory_space<vmem_shared>>)
      tpu.yield
    }) : () -> ()
    %barrier3A = arith.constant 0 : index
    tpu.barrier barrier_id(%barrier3A)
    %scan3A = arith.constant 0 : i32
    %scan3A_5 = arith.constant 5 : i32
    %scan3A_6 = arith.addi %scan3A, %scan3A_5 : i32
    %scan3A_7 = arith.constant 1 : i32
    scf.for %scan3A_14 = %scan3A to %scan3A_6 step %scan3A_7  : i32 {
      %mul3A_15 = arith.constant 16 : i32
      %mul3A_16 = arith.muli %scan3A_14, %mul3A_15 : i32
      %add3A_17 = arith.constant 0 : i32
      %add3A_18 = arith.addi %add3A_17, %mul3A_16 : i32
      "tpu.region"() ({
        %run_scoped3A = tpu.sem_alloc : memref<!tpu.dma_semaphore, #tpu.memory_space<semaphore_mem>>
        %dma_start3A_43 = arith.constant 0 : i32
        %dma_start3A_44 = tpu.memref_slice %arg2[%add3A, %add3A_18, %dma_start3A_43] : memref<32x80x125xi32, #tpu.memory_space<hbm>> -> memref<1x16x125xi32, #tpu.memory_space<hbm>>
        %dma_start3A_45 = tpu.memref_squeeze %dma_start3A_44 : memref<1x16x125xi32, #tpu.memory_space<hbm>> -> memref<16x125xi32, #tpu.memory_space<hbm>>
        %dma_start3A_46 = arith.constant 0 : i32
        %dma_start3A_47 = tpu.memref_slice %arg2[%add3A, %add3A_18, %dma_start3A_46] : memref<32x80x125xi32, #tpu.memory_space<hbm>> -> memref<1x16x125xi32, #tpu.memory_space<hbm>>
        %dma_start3A_48 = tpu.memref_squeeze %dma_start3A_47 : memref<1x16x125xi32, #tpu.memory_space<hbm>> -> memref<16x125xi32, #tpu.memory_space<hbm>>
        tpu.enqueue_dma source(%dma_start3A_48 : memref<16x125xi32, #tpu.memory_space<hbm>>) target(%arg7 : memref<16x125xi32, #tpu.memory_space<vmem>>) target_semaphore(%run_scoped3A : memref<!tpu.dma_semaphore, #tpu.memory_space<semaphore_mem>>)
        %dma_wait3A_49 = arith.constant 0 : i32
        %dma_wait3A_50 = tpu.memref_slice %arg2[%add3A, %add3A_18, %dma_wait3A_49] : memref<32x80x125xi32, #tpu.memory_space<hbm>> -> memref<1x16x125xi32, #tpu.memory_space<hbm>>
        %dma_wait3A_51 = tpu.memref_squeeze %dma_wait3A_50 : memref<1x16x125xi32, #tpu.memory_space<hbm>> -> memref<16x125xi32, #tpu.memory_space<hbm>>
        %dma_wait3A_52 = arith.constant 0 : i32
        %dma_wait3A_53 = tpu.memref_slice %arg2[%add3A, %add3A_18, %dma_wait3A_52] : memref<32x80x125xi32, #tpu.memory_space<hbm>> -> memref<1x16x125xi32, #tpu.memory_space<hbm>>
        %dma_wait3A_54 = tpu.memref_squeeze %dma_wait3A_53 : memref<1x16x125xi32, #tpu.memory_space<hbm>> -> memref<16x125xi32, #tpu.memory_space<hbm>>
        tpu.wait_dma2 semaphore(%run_scoped3A : memref<!tpu.dma_semaphore, #tpu.memory_space<semaphore_mem>>) src(%dma_wait3A_54 : memref<16x125xi32, #tpu.memory_space<hbm>>) dst(%arg7 : memref<16x125xi32, #tpu.memory_space<vmem>>)
        tpu.yield
      }) : () -> ()
      "tpu.region"() ({
        %run_scoped3A = tpu.sem_alloc : memref<!tpu.dma_semaphore, #tpu.memory_space<semaphore_mem>>
        %dma_start3A_43 = arith.constant 0 : i32
        %dma_start3A_44 = tpu.memref_slice %arg3[%add3A, %add3A_18, %dma_start3A_43] : memref<32x80x125xi32, #tpu.memory_space<hbm>> -> memref<1x16x125xi32, #tpu.memory_space<hbm>>
        %dma_start3A_45 = tpu.memref_squeeze %dma_start3A_44 : memref<1x16x125xi32, #tpu.memory_space<hbm>> -> memref<16x125xi32, #tpu.memory_space<hbm>>
        %dma_start3A_46 = arith.constant 0 : i32
        %dma_start3A_47 = tpu.memref_slice %arg3[%add3A, %add3A_18, %dma_start3A_46] : memref<32x80x125xi32, #tpu.memory_space<hbm>> -> memref<1x16x125xi32, #tpu.memory_space<hbm>>
        %dma_start3A_48 = tpu.memref_squeeze %dma_start3A_47 : memref<1x16x125xi32, #tpu.memory_space<hbm>> -> memref<16x125xi32, #tpu.memory_space<hbm>>
        tpu.enqueue_dma source(%dma_start3A_48 : memref<16x125xi32, #tpu.memory_space<hbm>>) target(%arg8 : memref<16x125xi32, #tpu.memory_space<vmem>>) target_semaphore(%run_scoped3A : memref<!tpu.dma_semaphore, #tpu.memory_space<semaphore_mem>>)
        %dma_wait3A_49 = arith.constant 0 : i32
        %dma_wait3A_50 = tpu.memref_slice %arg3[%add3A, %add3A_18, %dma_wait3A_49] : memref<32x80x125xi32, #tpu.memory_space<hbm>> -> memref<1x16x125xi32, #tpu.memory_space<hbm>>
        %dma_wait3A_51 = tpu.memref_squeeze %dma_wait3A_50 : memref<1x16x125xi32, #tpu.memory_space<hbm>> -> memref<16x125xi32, #tpu.memory_space<hbm>>
        %dma_wait3A_52 = arith.constant 0 : i32
        %dma_wait3A_53 = tpu.memref_slice %arg3[%add3A, %add3A_18, %dma_wait3A_52] : memref<32x80x125xi32, #tpu.memory_space<hbm>> -> memref<1x16x125xi32, #tpu.memory_space<hbm>>
        %dma_wait3A_54 = tpu.memref_squeeze %dma_wait3A_53 : memref<1x16x125xi32, #tpu.memory_space<hbm>> -> memref<16x125xi32, #tpu.memory_space<hbm>>
        tpu.wait_dma2 semaphore(%run_scoped3A : memref<!tpu.dma_semaphore, #tpu.memory_space<semaphore_mem>>) src(%dma_wait3A_54 : memref<16x125xi32, #tpu.memory_space<hbm>>) dst(%arg8 : memref<16x125xi32, #tpu.memory_space<vmem>>)
        tpu.yield
      }) : () -> ()
      %dma_start3A = arith.constant 0 : i32
      %dma_start3A_19 = arith.constant 0 : i32
      %dma_start3A_20 = tpu.memref_slice %arg8[%dma_start3A, %dma_start3A_19] : memref<16x125xi32, #tpu.memory_space<vmem>> -> memref<1x125xi32, #tpu.memory_space<vmem>>
      %dma_start3A_21 = tpu.memref_squeeze %dma_start3A_20 : memref<1x125xi32, #tpu.memory_space<vmem>> -> memref<125xi32, #tpu.memory_space<vmem>>
      %dma_start3A_22 = arith.constant 0 : i32
      %dma_start3A_23 = arith.constant 0 : i32
      %dma_start3A_24 = tpu.memref_slice %arg4[%dma_start3A_22, %dma_start3A_23] : memref<10000x128xf32, #tpu.memory_space<hbm>> -> memref<10000x128xf32, #tpu.memory_space<hbm>>
      tpu.enqueue_indirect_dma source(%dma_start3A_24 : memref<10000x128xf32, #tpu.memory_space<hbm>>) target(%arg9 : memref<125x128xf32, #tpu.memory_space<vmem>>) offsets(%dma_start3A_21 : memref<125xi32, #tpu.memory_space<vmem>>) semaphore(%arg12 : memref<!tpu.dma_semaphore, #tpu.memory_space<semaphore_mem>>)
      %scan3A_25 = arith.constant 0 : i32
      %scan3A_26 = arith.constant 16 : i32
      %scan3A_27 = arith.addi %scan3A_25, %scan3A_26 : i32
      %scan3A_28 = arith.constant 1 : i32
      scf.for %scan3A_43 = %scan3A_25 to %scan3A_27 step %scan3A_28  : i32 {
        %mul3A_44 = arith.constant 1 : i32
        %mul3A_45 = arith.muli %scan3A_43, %mul3A_44 : i32
        %add3A_46 = arith.constant 0 : i32
        %add3A_47 = arith.addi %add3A_46, %mul3A_45 : i32
        %jit3A = arith.constant 2 : i32
        %eq3A = arith.constant 0 : i32
        %eq3A_48 = arith.cmpi eq, %jit3A, %eq3A : i32
        %jit3A_49 = arith.constant 1 : i32
        %select_n3A = arith.select %eq3A_48, %jit3A_49, %jit3A : i32
        %rem3A = arith.remsi %add3A_47, %select_n3A : i32
        %ne3A = arith.constant 0 : i32
        %ne3A_50 = arith.cmpi ne, %rem3A, %ne3A : i32
        %lt3A = arith.constant 0 : i32
        %lt3A_51 = arith.cmpi slt, %rem3A, %lt3A : i32
        %lt3A_52 = arith.constant 0 : i32
        %lt3A_53 = arith.cmpi slt, %select_n3A, %lt3A_52 : i32
        %ne3A_54 = arith.xori %lt3A_51, %lt3A_53 : i1
        %and3A = arith.andi %ne3A_54, %ne3A_50 : i1
        %add3A_55 = arith.addi %rem3A, %select_n3A : i32
        %select_n3A_56 = arith.select %and3A, %add3A_55, %rem3A : i32
        %eq3A_57 = arith.constant 0 : i32
        %eq3A_58 = arith.cmpi eq, %select_n3A_56, %eq3A_57 : i32
        %convert_element_type3A = arith.extui %eq3A_58 : i1 to i32
        %cond3A = arith.constant 0 : i32
        %cond3A_59 = arith.cmpi ne, %convert_element_type3A, %cond3A : i32
        scf.if %cond3A_59 {
          %dma_wait3A_81 = arith.constant 0 : i32
          %dma_wait3A_82 = arith.constant 0 : i32
          %dma_wait3A_83 = tpu.memref_slice %arg8[%dma_wait3A_81, %dma_wait3A_82] : memref<16x125xi32, #tpu.memory_space<vmem>> -> memref<1x125xi32, #tpu.memory_space<vmem>>
          %dma_wait3A_84 = tpu.memref_squeeze %dma_wait3A_83 : memref<1x125xi32, #tpu.memory_space<vmem>> -> memref<125xi32, #tpu.memory_space<vmem>>
          %dma_wait3A_85 = arith.constant 0 : i32
          %dma_wait3A_86 = arith.constant 0 : i32
          %dma_wait3A_87 = tpu.memref_slice %arg4[%dma_wait3A_85, %dma_wait3A_86] : memref<10000x128xf32, #tpu.memory_space<hbm>> -> memref<10000x128xf32, #tpu.memory_space<hbm>>
          tpu.wait_indirect_dma semaphore(%arg12 : memref<!tpu.dma_semaphore, #tpu.memory_space<semaphore_mem>>) src(%dma_wait3A_87 : memref<10000x128xf32, #tpu.memory_space<hbm>>) dst(%arg9 : memref<125x128xf32, #tpu.memory_space<vmem>>)
          %dma_start3A_88 = arith.constant 0 : i32
          %dma_start3A_89 = tpu.memref_slice %arg7[%add3A_47, %dma_start3A_88] : memref<16x125xi32, #tpu.memory_space<vmem>> -> memref<1x125xi32, #tpu.memory_space<vmem>>
          %dma_start3A_90 = tpu.memref_squeeze %dma_start3A_89 : memref<1x125xi32, #tpu.memory_space<vmem>> -> memref<125xi32, #tpu.memory_space<vmem>>
          %dma_start3A_91 = arith.constant 0 : i32
          %dma_start3A_92 = arith.constant 0 : i32
          %dma_start3A_93 = tpu.memref_slice %arg11[%dma_start3A_91, %dma_start3A_92] : memref<10240x128xf32, #tpu.memory_space<vmem_shared>> -> memref<10240x128xf32, #tpu.memory_space<vmem_shared>>
          tpu.enqueue_indirect_dma source(%arg9 : memref<125x128xf32, #tpu.memory_space<vmem>>) target(%dma_start3A_93 : memref<10240x128xf32, #tpu.memory_space<vmem_shared>>) offsets(%dma_start3A_90 : memref<125xi32, #tpu.memory_space<vmem>>) semaphore(%arg14 : memref<!tpu.dma_semaphore, #tpu.memory_space<semaphore_mem>>) {add = true}
          %add3A_94 = arith.constant 1 : i32
          %add3A_95 = arith.addi %add3A_47, %add3A_94 : i32
          %lt3A_96 = arith.constant 16 : i32
          %lt3A_97 = arith.cmpi slt, %add3A_95, %lt3A_96 : i32
          %convert_element_type3A_98 = arith.extui %lt3A_97 : i1 to i32
          %cond3A_99 = arith.constant 0 : i32
          %cond3A_100 = arith.cmpi ne, %convert_element_type3A_98, %cond3A_99 : i32
          scf.if %cond3A_100 {
            %ge3A = arith.constant 1 : i32
            %ge3A_101 = arith.cmpi sge, %add3A_47, %ge3A : i32
            %convert_element_type3A_102 = arith.extui %ge3A_101 : i1 to i32
            %cond3A_103 = arith.constant 0 : i32
            %cond3A_104 = arith.cmpi ne, %convert_element_type3A_102, %cond3A_103 : i32
            scf.if %cond3A_104 {
              %dma_wait3A_113 = arith.constant 0 : i32
              %dma_wait3A_114 = arith.constant 0 : i32
              %dma_wait3A_115 = tpu.memref_slice %arg7[%dma_wait3A_113, %dma_wait3A_114] : memref<16x125xi32, #tpu.memory_space<vmem>> -> memref<1x125xi32, #tpu.memory_space<vmem>>
              %dma_wait3A_116 = tpu.memref_squeeze %dma_wait3A_115 : memref<1x125xi32, #tpu.memory_space<vmem>> -> memref<125xi32, #tpu.memory_space<vmem>>
              %dma_wait3A_117 = arith.constant 0 : i32
              %dma_wait3A_118 = arith.constant 0 : i32
              %dma_wait3A_119 = tpu.memref_slice %arg11[%dma_wait3A_117, %dma_wait3A_118] : memref<10240x128xf32, #tpu.memory_space<vmem_shared>> -> memref<10240x128xf32, #tpu.memory_space<vmem_shared>>
              tpu.wait_indirect_dma semaphore(%arg15 : memref<!tpu.dma_semaphore, #tpu.memory_space<semaphore_mem>>) src(%arg10 : memref<125x128xf32, #tpu.memory_space<vmem>>) dst(%dma_wait3A_119 : memref<10240x128xf32, #tpu.memory_space<vmem_shared>>)
            } else {
            }
            %add3A_105 = arith.constant 1 : i32
            %add3A_106 = arith.addi %add3A_47, %add3A_105 : i32
            %dma_start3A_107 = arith.constant 0 : i32
            %dma_start3A_108 = tpu.memref_slice %arg8[%add3A_106, %dma_start3A_107] : memref<16x125xi32, #tpu.memory_space<vmem>> -> memref<1x125xi32, #tpu.memory_space<vmem>>
            %dma_start3A_109 = tpu.memref_squeeze %dma_start3A_108 : memref<1x125xi32, #tpu.memory_space<vmem>> -> memref<125xi32, #tpu.memory_space<vmem>>
            %dma_start3A_110 = arith.constant 0 : i32
            %dma_start3A_111 = arith.constant 0 : i32
            %dma_start3A_112 = tpu.memref_slice %arg4[%dma_start3A_110, %dma_start3A_111] : memref<10000x128xf32, #tpu.memory_space<hbm>> -> memref<10000x128xf32, #tpu.memory_space<hbm>>
            tpu.enqueue_indirect_dma source(%dma_start3A_112 : memref<10000x128xf32, #tpu.memory_space<hbm>>) target(%arg10 : memref<125x128xf32, #tpu.memory_space<vmem>>) offsets(%dma_start3A_109 : memref<125xi32, #tpu.memory_space<vmem>>) semaphore(%arg13 : memref<!tpu.dma_semaphore, #tpu.memory_space<semaphore_mem>>)
          } else {
          }
        } else {
        }
        %jit3A_60 = arith.constant 2 : i32
        %eq3A_61 = arith.constant 0 : i32
        %eq3A_62 = arith.cmpi eq, %jit3A_60, %eq3A_61 : i32
        %jit3A_63 = arith.constant 1 : i32
        %select_n3A_64 = arith.select %eq3A_62, %jit3A_63, %jit3A_60 : i32
        %rem3A_65 = arith.remsi %add3A_47, %select_n3A_64 : i32
        %ne3A_66 = arith.constant 0 : i32
        %ne3A_67 = arith.cmpi ne, %rem3A_65, %ne3A_66 : i32
        %lt3A_68 = arith.constant 0 : i32
        %lt3A_69 = arith.cmpi slt, %rem3A_65, %lt3A_68 : i32
        %lt3A_70 = arith.constant 0 : i32
        %lt3A_71 = arith.cmpi slt, %select_n3A_64, %lt3A_70 : i32
        %ne3A_72 = arith.xori %lt3A_69, %lt3A_71 : i1
        %and3A_73 = arith.andi %ne3A_72, %ne3A_67 : i1
        %add3A_74 = arith.addi %rem3A_65, %select_n3A_64 : i32
        %select_n3A_75 = arith.select %and3A_73, %add3A_74, %rem3A_65 : i32
        %eq3A_76 = arith.constant 1 : i32
        %eq3A_77 = arith.cmpi eq, %select_n3A_75, %eq3A_76 : i32
        %convert_element_type3A_78 = arith.extui %eq3A_77 : i1 to i32
        %cond3A_79 = arith.constant 0 : i32
        %cond3A_80 = arith.cmpi ne, %convert_element_type3A_78, %cond3A_79 : i32
        scf.if %cond3A_80 {
          %dma_wait3A_81 = arith.constant 0 : i32
          %dma_wait3A_82 = arith.constant 0 : i32
          %dma_wait3A_83 = tpu.memref_slice %arg8[%dma_wait3A_81, %dma_wait3A_82] : memref<16x125xi32, #tpu.memory_space<vmem>> -> memref<1x125xi32, #tpu.memory_space<vmem>>
          %dma_wait3A_84 = tpu.memref_squeeze %dma_wait3A_83 : memref<1x125xi32, #tpu.memory_space<vmem>> -> memref<125xi32, #tpu.memory_space<vmem>>
          %dma_wait3A_85 = arith.constant 0 : i32
          %dma_wait3A_86 = arith.constant 0 : i32
          %dma_wait3A_87 = tpu.memref_slice %arg4[%dma_wait3A_85, %dma_wait3A_86] : memref<10000x128xf32, #tpu.memory_space<hbm>> -> memref<10000x128xf32, #tpu.memory_space<hbm>>
          tpu.wait_indirect_dma semaphore(%arg13 : memref<!tpu.dma_semaphore, #tpu.memory_space<semaphore_mem>>) src(%dma_wait3A_87 : memref<10000x128xf32, #tpu.memory_space<hbm>>) dst(%arg10 : memref<125x128xf32, #tpu.memory_space<vmem>>)
          %dma_start3A_88 = arith.constant 0 : i32
          %dma_start3A_89 = tpu.memref_slice %arg7[%add3A_47, %dma_start3A_88] : memref<16x125xi32, #tpu.memory_space<vmem>> -> memref<1x125xi32, #tpu.memory_space<vmem>>
          %dma_start3A_90 = tpu.memref_squeeze %dma_start3A_89 : memref<1x125xi32, #tpu.memory_space<vmem>> -> memref<125xi32, #tpu.memory_space<vmem>>
          %dma_start3A_91 = arith.constant 0 : i32
          %dma_start3A_92 = arith.constant 0 : i32
          %dma_start3A_93 = tpu.memref_slice %arg11[%dma_start3A_91, %dma_start3A_92] : memref<10240x128xf32, #tpu.memory_space<vmem_shared>> -> memref<10240x128xf32, #tpu.memory_space<vmem_shared>>
          tpu.enqueue_indirect_dma source(%arg10 : memref<125x128xf32, #tpu.memory_space<vmem>>) target(%dma_start3A_93 : memref<10240x128xf32, #tpu.memory_space<vmem_shared>>) offsets(%dma_start3A_90 : memref<125xi32, #tpu.memory_space<vmem>>) semaphore(%arg15 : memref<!tpu.dma_semaphore, #tpu.memory_space<semaphore_mem>>) {add = true}
          %add3A_94 = arith.constant 1 : i32
          %add3A_95 = arith.addi %add3A_47, %add3A_94 : i32
          %lt3A_96 = arith.constant 16 : i32
          %lt3A_97 = arith.cmpi slt, %add3A_95, %lt3A_96 : i32
          %convert_element_type3A_98 = arith.extui %lt3A_97 : i1 to i32
          %cond3A_99 = arith.constant 0 : i32
          %cond3A_100 = arith.cmpi ne, %convert_element_type3A_98, %cond3A_99 : i32
          scf.if %cond3A_100 {
            %ge3A = arith.constant 1 : i32
            %ge3A_101 = arith.cmpi sge, %add3A_47, %ge3A : i32
            %convert_element_type3A_102 = arith.extui %ge3A_101 : i1 to i32
            %cond3A_103 = arith.constant 0 : i32
            %cond3A_104 = arith.cmpi ne, %convert_element_type3A_102, %cond3A_103 : i32
            scf.if %cond3A_104 {
              %dma_wait3A_113 = arith.constant 0 : i32
              %dma_wait3A_114 = arith.constant 0 : i32
              %dma_wait3A_115 = tpu.memref_slice %arg7[%dma_wait3A_113, %dma_wait3A_114] : memref<16x125xi32, #tpu.memory_space<vmem>> -> memref<1x125xi32, #tpu.memory_space<vmem>>
              %dma_wait3A_116 = tpu.memref_squeeze %dma_wait3A_115 : memref<1x125xi32, #tpu.memory_space<vmem>> -> memref<125xi32, #tpu.memory_space<vmem>>
              %dma_wait3A_117 = arith.constant 0 : i32
              %dma_wait3A_118 = arith.constant 0 : i32
              %dma_wait3A_119 = tpu.memref_slice %arg11[%dma_wait3A_117, %dma_wait3A_118] : memref<10240x128xf32, #tpu.memory_space<vmem_shared>> -> memref<10240x128xf32, #tpu.memory_space<vmem_shared>>
              tpu.wait_indirect_dma semaphore(%arg14 : memref<!tpu.dma_semaphore, #tpu.memory_space<semaphore_mem>>) src(%arg9 : memref<125x128xf32, #tpu.memory_space<vmem>>) dst(%dma_wait3A_119 : memref<10240x128xf32, #tpu.memory_space<vmem_shared>>)
            } else {
            }
            %add3A_105 = arith.constant 1 : i32
            %add3A_106 = arith.addi %add3A_47, %add3A_105 : i32
            %dma_start3A_107 = arith.constant 0 : i32
            %dma_start3A_108 = tpu.memref_slice %arg8[%add3A_106, %dma_start3A_107] : memref<16x125xi32, #tpu.memory_space<vmem>> -> memref<1x125xi32, #tpu.memory_space<vmem>>
            %dma_start3A_109 = tpu.memref_squeeze %dma_start3A_108 : memref<1x125xi32, #tpu.memory_space<vmem>> -> memref<125xi32, #tpu.memory_space<vmem>>
            %dma_start3A_110 = arith.constant 0 : i32
            %dma_start3A_111 = arith.constant 0 : i32
            %dma_start3A_112 = tpu.memref_slice %arg4[%dma_start3A_110, %dma_start3A_111] : memref<10000x128xf32, #tpu.memory_space<hbm>> -> memref<10000x128xf32, #tpu.memory_space<hbm>>
            tpu.enqueue_indirect_dma source(%dma_start3A_112 : memref<10000x128xf32, #tpu.memory_space<hbm>>) target(%arg9 : memref<125x128xf32, #tpu.memory_space<vmem>>) offsets(%dma_start3A_109 : memref<125xi32, #tpu.memory_space<vmem>>) semaphore(%arg12 : memref<!tpu.dma_semaphore, #tpu.memory_space<semaphore_mem>>)
          } else {
          }
        } else {
        }
      }
      %scan3A_29 = arith.constant 16 : i32
      %dma_wait3A = arith.constant 0 : i32
      %dma_wait3A_30 = arith.constant 0 : i32
      %dma_wait3A_31 = tpu.memref_slice %arg7[%dma_wait3A, %dma_wait3A_30] : memref<16x125xi32, #tpu.memory_space<vmem>> -> memref<1x125xi32, #tpu.memory_space<vmem>>
      %dma_wait3A_32 = tpu.memref_squeeze %dma_wait3A_31 : memref<1x125xi32, #tpu.memory_space<vmem>> -> memref<125xi32, #tpu.memory_space<vmem>>
      %dma_wait3A_33 = arith.constant 0 : i32
      %dma_wait3A_34 = arith.constant 0 : i32
      %dma_wait3A_35 = tpu.memref_slice %arg11[%dma_wait3A_33, %dma_wait3A_34] : memref<10240x128xf32, #tpu.memory_space<vmem_shared>> -> memref<10240x128xf32, #tpu.memory_space<vmem_shared>>
      tpu.wait_indirect_dma semaphore(%arg14 : memref<!tpu.dma_semaphore, #tpu.memory_space<semaphore_mem>>) src(%arg9 : memref<125x128xf32, #tpu.memory_space<vmem>>) dst(%dma_wait3A_35 : memref<10240x128xf32, #tpu.memory_space<vmem_shared>>)
      %dma_wait3A_36 = arith.constant 0 : i32
      %dma_wait3A_37 = arith.constant 0 : i32
      %dma_wait3A_38 = tpu.memref_slice %arg7[%dma_wait3A_36, %dma_wait3A_37] : memref<16x125xi32, #tpu.memory_space<vmem>> -> memref<1x125xi32, #tpu.memory_space<vmem>>
      %dma_wait3A_39 = tpu.memref_squeeze %dma_wait3A_38 : memref<1x125xi32, #tpu.memory_space<vmem>> -> memref<125xi32, #tpu.memory_space<vmem>>
      %dma_wait3A_40 = arith.constant 0 : i32
      %dma_wait3A_41 = arith.constant 0 : i32
      %dma_wait3A_42 = tpu.memref_slice %arg11[%dma_wait3A_40, %dma_wait3A_41] : memref<10240x128xf32, #tpu.memory_space<vmem_shared>> -> memref<10240x128xf32, #tpu.memory_space<vmem_shared>>
      tpu.wait_indirect_dma semaphore(%arg15 : memref<!tpu.dma_semaphore, #tpu.memory_space<semaphore_mem>>) src(%arg10 : memref<125x128xf32, #tpu.memory_space<vmem>>) dst(%dma_wait3A_42 : memref<10240x128xf32, #tpu.memory_space<vmem_shared>>)
    }
    %scan3A_8 = arith.constant 5 : i32
    %barrier3A_9 = arith.constant 0 : index
    tpu.barrier barrier_id(%barrier3A_9)
    %mul3A_10 = arith.constant 640 : i32
    %mul3A_11 = arith.muli %arg1, %mul3A_10 : i32
    %mul3A_12 = arith.constant 640 : i32
    %mul3A_13 = arith.muli %arg1, %mul3A_12 : i32
    "tpu.region"() ({
      %run_scoped3A = tpu.sem_alloc : memref<!tpu.dma_semaphore, #tpu.memory_space<semaphore_mem>>
      %dma_start3A = arith.constant 0 : i32
      %dma_start3A_14 = tpu.memref_slice %arg6[%arg0, %mul3A_13, %dma_start3A] : memref<2x10240x128xf32, #tpu.memory_space<hbm>> -> memref<1x640x128xf32, #tpu.memory_space<hbm>>
      %dma_start3A_15 = tpu.memref_squeeze %dma_start3A_14 : memref<1x640x128xf32, #tpu.memory_space<hbm>> -> memref<640x128xf32, #tpu.memory_space<hbm>>
      %dma_start3A_16 = arith.constant 0 : i32
      %dma_start3A_17 = tpu.memref_slice %arg11[%mul3A_11, %dma_start3A_16] : memref<10240x128xf32, #tpu.memory_space<vmem_shared>> -> memref<640x128xf32, #tpu.memory_space<vmem_shared>>
      tpu.enqueue_dma source(%dma_start3A_17 : memref<640x128xf32, #tpu.memory_space<vmem_shared>>) target(%dma_start3A_15 : memref<640x128xf32, #tpu.memory_space<hbm>>) target_semaphore(%run_scoped3A : memref<!tpu.dma_semaphore, #tpu.memory_space<semaphore_mem>>)
      %dma_wait3A = arith.constant 0 : i32
      %dma_wait3A_18 = tpu.memref_slice %arg6[%arg0, %mul3A_13, %dma_wait3A] : memref<2x10240x128xf32, #tpu.memory_space<hbm>> -> memref<1x640x128xf32, #tpu.memory_space<hbm>>
      %dma_wait3A_19 = tpu.memref_squeeze %dma_wait3A_18 : memref<1x640x128xf32, #tpu.memory_space<hbm>> -> memref<640x128xf32, #tpu.memory_space<hbm>>
      %dma_wait3A_20 = arith.constant 0 : i32
      %dma_wait3A_21 = tpu.memref_slice %arg11[%mul3A_11, %dma_wait3A_20] : memref<10240x128xf32, #tpu.memory_space<vmem_shared>> -> memref<640x128xf32, #tpu.memory_space<vmem_shared>>
      tpu.wait_dma2 semaphore(%run_scoped3A : memref<!tpu.dma_semaphore, #tpu.memory_space<semaphore_mem>>) src(%dma_wait3A_21 : memref<640x128xf32, #tpu.memory_space<vmem_shared>>) dst(%dma_wait3A_19 : memref<640x128xf32, #tpu.memory_space<hbm>>)
      tpu.yield
    }) : () -> ()
    return
  }
}

#map = affine_map<(d0, d1) -> (0, 0, 0)>
#map1 = affine_map<(d0, d1) -> (0, 0)>
module attributes {stable_mosaic.version = 14 : i64} {
  func.func @_deg_body(%arg0: i32, %arg1: i32, %arg2: memref<32x625x16xi32, #tpu.memory_space<hbm>>, %arg3: memref<80x128xf32, #tpu.memory_space<hbm>>, %arg4: memref<2x80x128xf32, #tpu.memory_space<hbm>>, %arg5: memref<625x16xi32, #tpu.memory_space<vmem>>, %arg6: memref<80x128xf32, #tpu.memory_space<vmem>>, %arg7: memref<80xi32, #tpu.memory_space<vmem>>, %arg8: memref<80x128xf32, #tpu.memory_space<vmem_shared>>) attributes {dimension_semantics = [#tpu.dimension_semantics<core_parallel>, #tpu.dimension_semantics<subcore_parallel>], iteration_bounds = array<i64: 2, 16>, scalar_prefetch = 0 : i64, scratch_operands = 4 : i64, tpu.core_type = #tpu.core_type<sc_vector_subcore>, window_params = [{transform_indices = #map}, {transform_indices = #map1}, {transform_indices = #map}]} {
    %mul3A = arith.constant 16 : i32
    %mul3A_0 = arith.muli %arg0, %mul3A : i32
    %add3A = arith.addi %mul3A_0, %arg1 : i32
    %lt3A = arith.constant 10 : i32
    %lt3A_1 = arith.cmpi slt, %arg1, %lt3A : i32
    %convert_element_type3A = arith.extui %lt3A_1 : i1 to i32
    %cond3A = arith.constant 0 : i32
    %cond3A_2 = arith.cmpi ne, %convert_element_type3A, %cond3A : i32
    scf.if %cond3A_2 {
      %mul3A_24 = arith.constant 8 : i32
      %mul3A_25 = arith.muli %arg1, %mul3A_24 : i32
      %mul3A_26 = arith.constant 8 : i32
      %mul3A_27 = arith.muli %arg1, %mul3A_26 : i32
      "tpu.region"() ({
        %run_scoped3A = tpu.sem_alloc : memref<!tpu.dma_semaphore, #tpu.memory_space<semaphore_mem>>
        %dma_start3A = arith.constant 0 : i32
        %dma_start3A_28 = tpu.memref_slice %arg8[%mul3A_27, %dma_start3A] : memref<80x128xf32, #tpu.memory_space<vmem_shared>> -> memref<8x128xf32, #tpu.memory_space<vmem_shared>>
        %dma_start3A_29 = arith.constant 0 : i32
        %dma_start3A_30 = tpu.memref_slice %arg3[%mul3A_25, %dma_start3A_29] : memref<80x128xf32, #tpu.memory_space<hbm>> -> memref<8x128xf32, #tpu.memory_space<hbm>>
        tpu.enqueue_dma source(%dma_start3A_30 : memref<8x128xf32, #tpu.memory_space<hbm>>) target(%dma_start3A_28 : memref<8x128xf32, #tpu.memory_space<vmem_shared>>) target_semaphore(%run_scoped3A : memref<!tpu.dma_semaphore, #tpu.memory_space<semaphore_mem>>)
        %dma_wait3A = arith.constant 0 : i32
        %dma_wait3A_31 = tpu.memref_slice %arg8[%mul3A_27, %dma_wait3A] : memref<80x128xf32, #tpu.memory_space<vmem_shared>> -> memref<8x128xf32, #tpu.memory_space<vmem_shared>>
        %dma_wait3A_32 = arith.constant 0 : i32
        %dma_wait3A_33 = tpu.memref_slice %arg3[%mul3A_25, %dma_wait3A_32] : memref<80x128xf32, #tpu.memory_space<hbm>> -> memref<8x128xf32, #tpu.memory_space<hbm>>
        tpu.wait_dma2 semaphore(%run_scoped3A : memref<!tpu.dma_semaphore, #tpu.memory_space<semaphore_mem>>) src(%dma_wait3A_33 : memref<8x128xf32, #tpu.memory_space<hbm>>) dst(%dma_wait3A_31 : memref<8x128xf32, #tpu.memory_space<vmem_shared>>)
        tpu.yield
      }) : () -> ()
    } else {
    }
    "tpu.region"() ({
      %run_scoped3A = tpu.sem_alloc : memref<!tpu.dma_semaphore, #tpu.memory_space<semaphore_mem>>
      %dma_start3A = arith.constant 0 : i32
      %dma_start3A_24 = arith.constant 0 : i32
      %dma_start3A_25 = tpu.memref_slice %arg2[%add3A, %dma_start3A, %dma_start3A_24] : memref<32x625x16xi32, #tpu.memory_space<hbm>> -> memref<1x625x16xi32, #tpu.memory_space<hbm>>
      %dma_start3A_26 = tpu.memref_squeeze %dma_start3A_25 : memref<1x625x16xi32, #tpu.memory_space<hbm>> -> memref<625x16xi32, #tpu.memory_space<hbm>>
      %dma_start3A_27 = arith.constant 0 : i32
      %dma_start3A_28 = arith.constant 0 : i32
      %dma_start3A_29 = tpu.memref_slice %arg2[%add3A, %dma_start3A_27, %dma_start3A_28] : memref<32x625x16xi32, #tpu.memory_space<hbm>> -> memref<1x625x16xi32, #tpu.memory_space<hbm>>
      %dma_start3A_30 = tpu.memref_squeeze %dma_start3A_29 : memref<1x625x16xi32, #tpu.memory_space<hbm>> -> memref<625x16xi32, #tpu.memory_space<hbm>>
      tpu.enqueue_dma source(%dma_start3A_30 : memref<625x16xi32, #tpu.memory_space<hbm>>) target(%arg5 : memref<625x16xi32, #tpu.memory_space<vmem>>) target_semaphore(%run_scoped3A : memref<!tpu.dma_semaphore, #tpu.memory_space<semaphore_mem>>)
      %dma_wait3A = arith.constant 0 : i32
      %dma_wait3A_31 = arith.constant 0 : i32
      %dma_wait3A_32 = tpu.memref_slice %arg2[%add3A, %dma_wait3A, %dma_wait3A_31] : memref<32x625x16xi32, #tpu.memory_space<hbm>> -> memref<1x625x16xi32, #tpu.memory_space<hbm>>
      %dma_wait3A_33 = tpu.memref_squeeze %dma_wait3A_32 : memref<1x625x16xi32, #tpu.memory_space<hbm>> -> memref<625x16xi32, #tpu.memory_space<hbm>>
      %dma_wait3A_34 = arith.constant 0 : i32
      %dma_wait3A_35 = arith.constant 0 : i32
      %dma_wait3A_36 = tpu.memref_slice %arg2[%add3A, %dma_wait3A_34, %dma_wait3A_35] : memref<32x625x16xi32, #tpu.memory_space<hbm>> -> memref<1x625x16xi32, #tpu.memory_space<hbm>>
      %dma_wait3A_37 = tpu.memref_squeeze %dma_wait3A_36 : memref<1x625x16xi32, #tpu.memory_space<hbm>> -> memref<625x16xi32, #tpu.memory_space<hbm>>
      tpu.wait_dma2 semaphore(%run_scoped3A : memref<!tpu.dma_semaphore, #tpu.memory_space<semaphore_mem>>) src(%dma_wait3A_37 : memref<625x16xi32, #tpu.memory_space<hbm>>) dst(%arg5 : memref<625x16xi32, #tpu.memory_space<vmem>>)
      tpu.yield
    }) : () -> ()
    %scan3A = arith.constant 0 : i32
    %scan3A_3 = arith.constant 80 : i32
    %scan3A_4 = arith.addi %scan3A, %scan3A_3 : i32
    %scan3A_5 = arith.constant 1 : i32
    scf.for %scan3A_24 = %scan3A to %scan3A_4 step %scan3A_5  : i32 {
      %mul3A_25 = arith.constant 1 : i32
      %mul3A_26 = arith.muli %scan3A_24, %mul3A_25 : i32
      %add3A_27 = arith.constant 0 : i32
      %add3A_28 = arith.addi %add3A_27, %mul3A_26 : i32
      %scan3A_29 = arith.constant 0 : i32
      %scan3A_30 = arith.constant 8 : i32
      %scan3A_31 = arith.addi %scan3A_29, %scan3A_30 : i32
      %scan3A_32 = arith.constant 1 : i32
      scf.for %scan3A_34 = %scan3A_29 to %scan3A_31 step %scan3A_32  : i32 {
        %mul3A_35 = arith.constant 1 : i32
        %mul3A_36 = arith.muli %scan3A_34, %mul3A_35 : i32
        %add3A_37 = arith.constant 0 : i32
        %add3A_38 = arith.addi %add3A_37, %mul3A_36 : i32
        %broadcast_in_dim3A_39 = arith.constant 0.000000e+00 : f32
        %broadcast_in_dim3A_40 = vector.broadcast %broadcast_in_dim3A_39 : f32 to vector<16xf32>
        %mul3A_41 = arith.constant 16 : i32
        %mul3A_42 = arith.muli %add3A_38, %mul3A_41 : i32
        %swap3A = arith.index_cast %add3A_28 : i32 to index
        %swap3A_43 = arith.index_cast %mul3A_42 : i32 to index
        %swap3A_44 = tpu.vector_load %arg6[%swap3A, %swap3A_43] {strides = array<i32>} : memref<80x128xf32, #tpu.memory_space<vmem>>, vector<16xf32>,
        tpu.vector_store %arg6[%swap3A, %swap3A_43], %broadcast_in_dim3A_40 {strides = array<i32>} : memref<80x128xf32, #tpu.memory_space<vmem>>, vector<16xf32>,
      }
      %scan3A_33 = arith.constant 8 : i32
    }
    %scan3A_6 = arith.constant 80 : i32
    %scan3A_7 = arith.constant 0 : i32
    %scan3A_8 = arith.constant 5 : i32
    %scan3A_9 = arith.addi %scan3A_7, %scan3A_8 : i32
    %scan3A_10 = arith.constant 1 : i32
    scf.for %scan3A_24 = %scan3A_7 to %scan3A_9 step %scan3A_10  : i32 {
      %mul3A_25 = arith.constant 1 : i32
      %mul3A_26 = arith.muli %scan3A_24, %mul3A_25 : i32
      %add3A_27 = arith.constant 0 : i32
      %add3A_28 = arith.addi %add3A_27, %mul3A_26 : i32
      %iota3A = tpu.iota {dimensions = array<i32: 0>} : vector<16xi32>
      %mul3A_29 = arith.constant 16 : i32
      %mul3A_30 = arith.muli %add3A_28, %mul3A_29 : i32
      %add3A_31 = vector.broadcast %mul3A_30 : i32 to vector<16xi32>
      %add3A_32 = arith.addi %iota3A, %add3A_31 : vector<16xi32>
      %mul3A_33 = arith.constant 16 : i32
      %mul3A_34 = arith.muli %add3A_28, %mul3A_33 : i32
      %swap3A = arith.index_cast %mul3A_34 : i32 to index
      %swap3A_35 = tpu.vector_load %arg7[%swap3A] {strides = array<i32>} : memref<80xi32, #tpu.memory_space<vmem>>, vector<16xi32>,
      tpu.vector_store %arg7[%swap3A], %add3A_32 {strides = array<i32>} : memref<80xi32, #tpu.memory_space<vmem>>, vector<16xi32>,
    }
    %scan3A_11 = arith.constant 5 : i32
    %broadcast_in_dim3A = arith.constant 1.000000e+00 : f32
    %broadcast_in_dim3A_12 = vector.broadcast %broadcast_in_dim3A : f32 to vector<16xf32>
    %scan3A_13 = arith.constant 0 : i32
    %scan3A_14 = arith.constant 625 : i32
    %scan3A_15 = arith.addi %scan3A_13, %scan3A_14 : i32
    %scan3A_16 = arith.constant 1 : i32
    scf.for %scan3A_24 = %scan3A_13 to %scan3A_15 step %scan3A_16  : i32 {
      %mul3A_25 = arith.constant 1 : i32
      %mul3A_26 = arith.muli %scan3A_24, %mul3A_25 : i32
      %add3A_27 = arith.constant 0 : i32
      %add3A_28 = arith.addi %add3A_27, %mul3A_26 : i32
      %get3A = arith.index_cast %add3A_28 : i32 to index
      %get3A_29 = arith.constant 0 : index
      %get3A_30 = tpu.vector_load %arg5[%get3A, %get3A_29] {strides = array<i32>} : memref<625x16xi32, #tpu.memory_space<vmem>>, vector<16xi32>,
      %shift_right_logical3A = arith.constant 7 : i32
      %shift_right_logical3A_31 = vector.broadcast %shift_right_logical3A : i32 to vector<16xi32>
      %shift_right_logical3A_32 = arith.shrui %get3A_30, %shift_right_logical3A_31 : vector<16xi32>
      %and3A = arith.constant 127 : i32
      %and3A_33 = vector.broadcast %and3A : i32 to vector<16xi32>
      %and3A_34 = arith.andi %get3A_30, %and3A_33 : vector<16xi32>
      tpu.vector_store_idx %arg6[%shift_right_logical3A_32, %and3A_34], %broadcast_in_dim3A_12 {add = true} : memref<80x128xf32, #tpu.memory_space<vmem>>[vector<16xi32>, vector<16xi32>], vector<16xf32>,
    }
    %scan3A_17 = arith.constant 625 : i32
    %barrier3A = arith.constant 0 : index
    tpu.barrier barrier_id(%barrier3A)
    "tpu.region"() ({
      %run_scoped3A = tpu.sem_alloc : memref<!tpu.dma_semaphore, #tpu.memory_space<semaphore_mem>>
      %dma_start3A = arith.constant 0 : i32
      %dma_start3A_24 = arith.constant 0 : i32
      %dma_start3A_25 = tpu.memref_slice %arg8[%dma_start3A, %dma_start3A_24] : memref<80x128xf32, #tpu.memory_space<vmem_shared>> -> memref<80x128xf32, #tpu.memory_space<vmem_shared>>
      tpu.enqueue_indirect_dma source(%arg6 : memref<80x128xf32, #tpu.memory_space<vmem>>) target(%dma_start3A_25 : memref<80x128xf32, #tpu.memory_space<vmem_shared>>) offsets(%arg7 : memref<80xi32, #tpu.memory_space<vmem>>) semaphore(%run_scoped3A : memref<!tpu.dma_semaphore, #tpu.memory_space<semaphore_mem>>) {add = true}
      %dma_wait3A = arith.constant 0 : i32
      %dma_wait3A_26 = arith.constant 0 : i32
      %dma_wait3A_27 = tpu.memref_slice %arg8[%dma_wait3A, %dma_wait3A_26] : memref<80x128xf32, #tpu.memory_space<vmem_shared>> -> memref<80x128xf32, #tpu.memory_space<vmem_shared>>
      tpu.wait_indirect_dma semaphore(%run_scoped3A : memref<!tpu.dma_semaphore, #tpu.memory_space<semaphore_mem>>) src(%arg6 : memref<80x128xf32, #tpu.memory_space<vmem>>) dst(%dma_wait3A_27 : memref<80x128xf32, #tpu.memory_space<vmem_shared>>)
      tpu.yield
    }) : () -> ()
    %barrier3A_18 = arith.constant 0 : index
    tpu.barrier barrier_id(%barrier3A_18)
    %lt3A_19 = arith.constant 10 : i32
    %lt3A_20 = arith.cmpi slt, %arg1, %lt3A_19 : i32
    %convert_element_type3A_21 = arith.extui %lt3A_20 : i1 to i32
    %cond3A_22 = arith.constant 0 : i32
    %cond3A_23 = arith.cmpi ne, %convert_element_type3A_21, %cond3A_22 : i32
    scf.if %cond3A_23 {
      %mul3A_24 = arith.constant 8 : i32
      %mul3A_25 = arith.muli %arg1, %mul3A_24 : i32
      %mul3A_26 = arith.constant 8 : i32
      %mul3A_27 = arith.muli %arg1, %mul3A_26 : i32
      "tpu.region"() ({
        %run_scoped3A = tpu.sem_alloc : memref<!tpu.dma_semaphore, #tpu.memory_space<semaphore_mem>>
        %dma_start3A = arith.constant 0 : i32
        %dma_start3A_28 = tpu.memref_slice %arg4[%arg0, %mul3A_27, %dma_start3A] : memref<2x80x128xf32, #tpu.memory_space<hbm>> -> memref<1x8x128xf32, #tpu.memory_space<hbm>>
        %dma_start3A_29 = tpu.memref_squeeze %dma_start3A_28 : memref<1x8x128xf32, #tpu.memory_space<hbm>> -> memref<8x128xf32, #tpu.memory_space<hbm>>
        %dma_start3A_30 = arith.constant 0 : i32
        %dma_start3A_31 = tpu.memref_slice %arg8[%mul3A_25, %dma_start3A_30] : memref<80x128xf32, #tpu.memory_space<vmem_shared>> -> memref<8x128xf32, #tpu.memory_space<vmem_shared>>
        tpu.enqueue_dma source(%dma_start3A_31 : memref<8x128xf32, #tpu.memory_space<vmem_shared>>) target(%dma_start3A_29 : memref<8x128xf32, #tpu.memory_space<hbm>>) target_semaphore(%run_scoped3A : memref<!tpu.dma_semaphore, #tpu.memory_space<semaphore_mem>>)
        %dma_wait3A = arith.constant 0 : i32
        %dma_wait3A_32 = tpu.memref_slice %arg4[%arg0, %mul3A_27, %dma_wait3A] : memref<2x80x128xf32, #tpu.memory_space<hbm>> -> memref<1x8x128xf32, #tpu.memory_space<hbm>>
        %dma_wait3A_33 = tpu.memref_squeeze %dma_wait3A_32 : memref<1x8x128xf32, #tpu.memory_space<hbm>> -> memref<8x128xf32, #tpu.memory_space<hbm>>
        %dma_wait3A_34 = arith.constant 0 : i32
        %dma_wait3A_35 = tpu.memref_slice %arg8[%mul3A_25, %dma_wait3A_34] : memref<80x128xf32, #tpu.memory_space<vmem_shared>> -> memref<8x128xf32, #tpu.memory_space<vmem_shared>>
        tpu.wait_dma2 semaphore(%run_scoped3A : memref<!tpu.dma_semaphore, #tpu.memory_space<semaphore_mem>>) src(%dma_wait3A_35 : memref<8x128xf32, #tpu.memory_space<vmem_shared>>) dst(%dma_wait3A_33 : memref<8x128xf32, #tpu.memory_space<hbm>>)
        tpu.yield
      }) : () -> ()
    } else {
    }
    return
  }
}

module attributes {stable_mosaic.version = 14 : i64} {
  func.func @_scale_body(%arg0: i32, %arg1: memref<512x128xf32, #tpu.memory_space<vmem>>, %arg2: memref<2x512xf32, #tpu.memory_space<vmem>>, %arg3: memref<512x128xf32, #tpu.memory_space<vmem>>) attributes {dimension_semantics = [#tpu.dimension_semantics<arbitrary>], iteration_bounds = array<i64: 20>, scalar_prefetch = 0 : i64, scratch_operands = 0 : i64, tpu.core_type = #tpu.core_type<tc>, window_params = [{transform_indices = @transform_0, window_bounds = array<i64: 512, 128>}, {transform_indices = @transform_1, window_bounds = array<i64: 2, 512>}, {transform_indices = @transform_2, window_bounds = array<i64: 512, 128>}]} {
    %get3A = arith.constant 0 : index
    %get3A_0 = arith.constant 0 : index
    %get3A_1 = vector.load %arg2[%get3A, %get3A_0] : memref<2x512xf32, #tpu.memory_space<vmem>>, vector<2x512xf32>
    %slice3A = vector.extract_strided_slice %get3A_1 {offsets = [0, 0], sizes = [1, 512], strides = [1, 1]} : vector<2x512xf32> to vector<1x512xf32>
    %squeeze3A = vector.shape_cast %slice3A : vector<1x512xf32> to vector<512xf32>
    %slice3A_2 = vector.extract_strided_slice %get3A_1 {offsets = [1, 0], sizes = [1, 512], strides = [1, 1]} : vector<2x512xf32> to vector<1x512xf32>
    %squeeze3A_3 = vector.shape_cast %slice3A_2 : vector<1x512xf32> to vector<512xf32>
    %add3A = arith.addf %squeeze3A, %squeeze3A_3 : vector<512xf32>
    %gt3A = arith.constant 0.000000e+00 : f32
    %gt3A_4 = vector.broadcast %gt3A : f32 to vector<512xf32>
    %gt3A_5 = arith.cmpf ogt, %add3A, %gt3A_4 : vector<512xf32>
    %rsqrt3A = math.rsqrt %add3A : vector<512xf32>
    %jit3A = arith.constant 0.000000e+00 : f32
    %broadcast_in_dim3A = vector.broadcast %jit3A : f32 to vector<512xf32>
    %select_n3A = arith.select %gt3A_5, %rsqrt3A, %broadcast_in_dim3A : vector<512xi1>, vector<512xf32>
    %get3A_6 = arith.constant 0 : index
    %get3A_7 = arith.constant 0 : index
    %get3A_8 = vector.load %arg1[%get3A_6, %get3A_7] : memref<512x128xf32, #tpu.memory_space<vmem>>, vector<512x128xf32>
    %broadcast_in_dim3A_9 = vector.shape_cast %select_n3A : vector<512xf32> to vector<512x1xf32>
    %mul3A = vector.broadcast %broadcast_in_dim3A_9 : vector<512x1xf32> to vector<512x128xf32>
    %mul3A_10 = arith.mulf %get3A_8, %mul3A : vector<512x128xf32>
    %swap3A = arith.constant 0 : index
    %swap3A_11 = arith.constant 0 : index
    %swap3A_12 = vector.load %arg3[%swap3A, %swap3A_11] : memref<512x128xf32, #tpu.memory_space<vmem>>, vector<512x128xf32>
    tpu.vector_store %arg3[%swap3A, %swap3A_11], %mul3A_10 {strides = array<i32>} : memref<512x128xf32, #tpu.memory_space<vmem>>, vector<512x128xf32>,
    return
  }
  func.func @transform_0(%arg0: i32) -> (i32, i32) {
    %c0_i32 = arith.constant 0 : i32
    %c0_i32_0 = arith.constant 0 : i32
    return %arg0, %c0_i32 : i32, i32
  }
  func.func @transform_1(%arg0: i32) -> (i32, i32) {
    %c0_i32 = arith.constant 0 : i32
    %c0_i32_0 = arith.constant 0 : i32
    return %c0_i32, %arg0 : i32, i32
  }
  func.func @transform_2(%arg0: i32) -> (i32, i32) {
    %c0_i32 = arith.constant 0 : i32
    %c0_i32_0 = arith.constant 0 : i32
    return %arg0, %c0_i32 : i32, i32
  }
}

module attributes {stable_mosaic.version = 14 : i64} {
  func.func @_out_body(%arg0: i32, %arg1: memref<2x512x128xf32, #tpu.memory_space<vmem>>, %arg2: memref<2x512xf32, #tpu.memory_space<vmem>>, %arg3: memref<128x128xf32, #tpu.memory_space<vmem>>, %arg4: memref<1x128xf32, #tpu.memory_space<vmem>>, %arg5: memref<512x128xf32, #tpu.memory_space<vmem>>) attributes {dimension_semantics = [#tpu.dimension_semantics<arbitrary>], iteration_bounds = array<i64: 20>, scalar_prefetch = 0 : i64, scratch_operands = 0 : i64, tpu.core_type = #tpu.core_type<tc>, window_params = [{transform_indices = @transform_0, window_bounds = array<i64: 2, 512, 128>}, {transform_indices = @transform_1, window_bounds = array<i64: 2, 512>}, {pipeline_mode = #tpu.pipeline_mode<synchronous>, transform_indices = @transform_2, window_bounds = array<i64: 128, 128>}, {pipeline_mode = #tpu.pipeline_mode<synchronous>, transform_indices = @transform_3, window_bounds = array<i64: 1, 128>}, {transform_indices = @transform_4, window_bounds = array<i64: 512, 128>}]} {
    %get3A = arith.constant 0 : index
    %get3A_0 = arith.constant 0 : index
    %get3A_1 = arith.constant 0 : index
    %get3A_2 = vector.load %arg1[%get3A, %get3A_0, %get3A_1] : memref<2x512x128xf32, #tpu.memory_space<vmem>>, vector<2x512x128xf32>
    %get3A_3 = arith.constant 0 : index
    %get3A_4 = arith.constant 0 : index
    %get3A_5 = vector.load %arg2[%get3A_3, %get3A_4] : memref<2x512xf32, #tpu.memory_space<vmem>>, vector<2x512xf32>
    %slice3A = vector.extract_strided_slice %get3A_5 {offsets = [0, 0], sizes = [1, 512], strides = [1, 1]} : vector<2x512xf32> to vector<1x512xf32>
    %squeeze3A = vector.shape_cast %slice3A : vector<1x512xf32> to vector<512xf32>
    %slice3A_6 = vector.extract_strided_slice %get3A_5 {offsets = [1, 0], sizes = [1, 512], strides = [1, 1]} : vector<2x512xf32> to vector<1x512xf32>
    %squeeze3A_7 = vector.shape_cast %slice3A_6 : vector<1x512xf32> to vector<512xf32>
    %add3A = arith.addf %squeeze3A, %squeeze3A_7 : vector<512xf32>
    %gt3A = arith.constant 0.000000e+00 : f32
    %gt3A_8 = vector.broadcast %gt3A : f32 to vector<512xf32>
    %gt3A_9 = arith.cmpf ogt, %add3A, %gt3A_8 : vector<512xf32>
    %rsqrt3A = math.rsqrt %add3A : vector<512xf32>
    %jit3A = arith.constant 0.000000e+00 : f32
    %broadcast_in_dim3A = vector.broadcast %jit3A : f32 to vector<512xf32>
    %select_n3A = arith.select %gt3A_9, %rsqrt3A, %broadcast_in_dim3A : vector<512xi1>, vector<512xf32>
    %slice3A_10 = vector.extract_strided_slice %get3A_2 {offsets = [0, 0, 0], sizes = [1, 512, 128], strides = [1, 1, 1]} : vector<2x512x128xf32> to vector<1x512x128xf32>
    %squeeze3A_11 = vector.shape_cast %slice3A_10 : vector<1x512x128xf32> to vector<512x128xf32>
    %slice3A_12 = vector.extract_strided_slice %get3A_2 {offsets = [1, 0, 0], sizes = [1, 512, 128], strides = [1, 1, 1]} : vector<2x512x128xf32> to vector<1x512x128xf32>
    %squeeze3A_13 = vector.shape_cast %slice3A_12 : vector<1x512x128xf32> to vector<512x128xf32>
    %add3A_14 = arith.addf %squeeze3A_11, %squeeze3A_13 : vector<512x128xf32>
    %broadcast_in_dim3A_15 = vector.shape_cast %select_n3A : vector<512xf32> to vector<512x1xf32>
    %mul3A = vector.broadcast %broadcast_in_dim3A_15 : vector<512x1xf32> to vector<512x128xf32>
    %mul3A_16 = arith.mulf %add3A_14, %mul3A : vector<512x128xf32>
    %get3A_17 = arith.constant 0 : index
    %get3A_18 = arith.constant 0 : index
    %get3A_19 = vector.load %arg3[%get3A_17, %get3A_18] : memref<128x128xf32, #tpu.memory_space<vmem>>, vector<128x128xf32>
    %dot_general3A = arith.constant dense<0.000000e+00> : vector<512x128xf32>
    %dot_general3A_20 = tpu.matmul %mul3A_16, %get3A_19, %dot_general3A {dimension_numbers = #tpu.dot_dimension_numbers<[1], [1], [0], [0], [0, 0, 1, 0], [], []>, transpose_lhs_hint = false} : vector<512x128xf32>, vector<128x128xf32>, vector<512x128xf32> -> vector<512x128xf32>
    %get3A_21 = arith.constant 0 : index
    %get3A_22 = arith.constant 0 : index
    %get3A_23 = vector.load %arg4[%get3A_21, %get3A_22] : memref<1x128xf32, #tpu.memory_space<vmem>>, vector<1x128xf32>
    %add3A_24 = vector.broadcast %get3A_23 : vector<1x128xf32> to vector<512x128xf32>
    %add3A_25 = arith.addf %dot_general3A_20, %add3A_24 : vector<512x128xf32>
    %max3A = arith.constant 0.000000e+00 : f32
    %max3A_26 = vector.broadcast %max3A : f32 to vector<512x128xf32>
    %max3A_27 = arith.maximumf %add3A_25, %max3A_26 : vector<512x128xf32>
    %swap3A = arith.constant 0 : index
    %swap3A_28 = arith.constant 0 : index
    %swap3A_29 = vector.load %arg5[%swap3A, %swap3A_28] : memref<512x128xf32, #tpu.memory_space<vmem>>, vector<512x128xf32>
    tpu.vector_store %arg5[%swap3A, %swap3A_28], %max3A_27 {strides = array<i32>} : memref<512x128xf32, #tpu.memory_space<vmem>>, vector<512x128xf32>,
    return
  }
  func.func @transform_0(%arg0: i32) -> (i32, i32, i32) {
    %c0_i32 = arith.constant 0 : i32
    %c0_i32_0 = arith.constant 0 : i32
    %c0_i32_1 = arith.constant 0 : i32
    return %c0_i32, %arg0, %c0_i32_0 : i32, i32, i32
  }
  func.func @transform_1(%arg0: i32) -> (i32, i32) {
    %c0_i32 = arith.constant 0 : i32
    %c0_i32_0 = arith.constant 0 : i32
    return %c0_i32, %arg0 : i32, i32
  }
  func.func @transform_2(%arg0: i32) -> (i32, i32) {
    %c0_i32 = arith.constant 0 : i32
    %c0_i32_0 = arith.constant 0 : i32
    %c0_i32_1 = arith.constant 0 : i32
    return %c0_i32, %c0_i32_0 : i32, i32
  }
  func.func @transform_3(%arg0: i32) -> (i32, i32) {
    %c0_i32 = arith.constant 0 : i32
    %c0_i32_0 = arith.constant 0 : i32
    %c0_i32_1 = arith.constant 0 : i32
    return %c0_i32, %c0_i32_0 : i32, i32
  }
  func.func @transform_4(%arg0: i32) -> (i32, i32) {
    %c0_i32 = arith.constant 0 : i32
    %c0_i32_0 = arith.constant 0 : i32
    return %arg0, %c0_i32 : i32, i32
  }
}

</mosaic_0001>

<sc_bundles>
// kernel: kernel.6.cloned.1.call-start
scs
__scs_entry_jumppad:
0x0: {  	(pc) =	sbr.rel $0x88, $3  }
0x1: {  	(tag) =	ssettag $0x0;
	lr =	simm.s32 $0x1  }
0x2: {  	[smem:$0x3F9D] =	sst lr;
	_ =	strace $0xD0000000  }
0x3: {  	_ = 	snop  }
0x4: {  	_ = 	snop  }
0x5: {  	_ = 	snop  }
0x6: {  	_ = 	snop  }
0x7: {  	_ = 	snop  }
__scs_overlays_trampoline_lowered:
0x8: {  	[smem:$0x3FAC] =	sst s0  }
0x9: {  	[smem:$0x3FAD] =	sst s1  }
0xa: {  	[smem:$0x3FAE] =	sst s2  }
0xb: {  	[smem:$0x3FAF] =	sst s3  }
0xc: {  	[smem:$0x3FB0] =	sst s4  }
0xd: {  	[smem:$0x3FB1] =	sst s5  }
0xe: {  	[smem:$0x3FB2] =	sst s6  }
0xf: {  	[smem:$0x3FB3] =	sst s7  }
0x10: {  	[smem:$0x3FB4] =	sst s8  }
0x11: {  	[smem:$0x3FB5] =	sst s9;
	s0 =	simm.s32 @!p0 $0x0  }
0x12: {  	s1 =	sld [smem:$0x3F9B];
	s0 =	simm.s32 @p0 $0x1  }
0x13: {  	[smem:$0x3FB6] =	sst s0;
	s0 =	simm.s32 @!p1 $0x0  }
0x14: {  	s2 =	sld [smem:$0x3F9A];
	s0 =	simm.s32 @p1 $0x1  }
0x15: {  	[smem:$0x3FB7] =	sst s0;
	s0 =	simm.s32 @!p2 $0x0  }
0x16: {  	s3 =	sld [smem:$0x3FDB];
	s0 =	simm.s32 @p2 $0x1  }
0x17: {  	s4 =	simm.s32 $0x1BF5;
	[smem:$0x3FB9] =	sst s0  }
0x18: {  	s0 =	sld [smem:$0x3F9C];
	_ =	swait.ge [sflag:s4], $0x0  }
0x19: {  	s7 =	sld [smem:$0x3F9D]  }
0x1a: {  	s8 =	sadd.s32 $0xFFFFE003, lr  }
0x1b: {  	s9 =	sadd.s32 $0xFFFFFEF7, lr;
	s5 =	simm.s32 $0xFFFFFFFF;
	p2 =	slt.u32 s8, $0xFFFFF086  }
0x1c: {  	p1 =	slt.u32 s9, $0xF7A;
	s5 =	simm.s32 @!p2 $0x0  }
0x1d: {  	s5 =	simm.s32 @p1 $0x1;
	p0 =	seq.s32 s7, s2  }
0x1e: {  	s7 =	smul.u32 @!p0 $0xF7A, s2;
	p2 =	seq.s32 @!p0 s5, $0x0  }
0x1f: {  	s9 =	smul.u32 $0xF7A, s1;
	s8 =	simm.s32 @!p0 $0x1BF5;
	p2 =	por !p2, p0  }
0x20: {  	[sflag:s8] =	ssyncset.s32 @!p0 $0xFFFFF086;
	s6 =	sadd.s32 @!p0 s3, s7;
	s7 =	simm.s32 @!p0 $0x108  }
0x21: {  	s3 =	sadd.s32 s3, s9;
	s6 =	sadd.s32 @!p0 $0x88, s6;
	s7 =	simm.s32 @p2 $0x1082  }
0x22: {  	[simem:s7], [sflag:s8] =	dma.local @!p0 [hbm:s6], $0xF7A  }
0x23: {  	s9 =	sor.u32 $0xD0000000, s2;
	s6 =	simm.s32 $0x108;
	_ =	swait.ge @!p0 [sflag:s8], $0x0  }
0x24: {  	s3 =	sadd.s32 $0x88, s3;
	s6 =	simm.s32 @!p1 $0x1082;
	[sflag:s4] =	ssyncset.s32 $0xFFFFF086  }
0x25: {  	[simem:s6], [sflag:s4] =	dma.local [hbm:s3], $0xF7A  }
0x26: {  	[smem:$0x3F9D] =	sst s1;
	(tag) =	ssettag s2;
	_ =	strace s9  }
0x27: {  	s1 =	sld [smem:$0x3FAD]  }
0x28: {  	s2 =	sld [smem:$0x3FAE]  }
0x29: {  	s4 =	sld [smem:$0x3FB0]  }
0x2a: {  	p0 =	seq.s32 s5, $0x0;
	s5 =	sld [smem:$0x3FB1]  }
0x2b: {  	s6 =	sld [smem:$0x3FB2]  }
0x2c: {  	s7 =	sld [smem:$0x3FB3]  }
0x2d: {  	s3 =	simm.s32 $0x108;
	s8 =	sld [smem:$0x3FB4]  }
0x2e: {  	s3 =	simm.s32 @!p0 $0x1082;
	s9 =	sld [smem:$0x3FB5]  }
0x2f: {  	lr =	sadd.s32 s0, s3;
	s0 =	sld [smem:$0x3FAC]  }
0x30: {  	s3 =	sld [smem:$0x3FAF]  }
0x31: {  	[smem:$0x3FB8] =	sst s10  }
0x32: {  	s10 =	sld [smem:$0x3FB6];
	_ =	sdelay $0x3  }
0x33: {  	p0 =	seq.s32 s10, $0x1;
	s10 =	sld [smem:$0x3FB8];
	_ =	sdelay $0x3  }
0x34: {  	[smem:$0x3FB8] =	sst s10  }
0x35: {  	s10 =	sld [smem:$0x3FB7];
	_ =	sdelay $0x3  }
0x36: {  	p1 =	seq.s32 s10, $0x1;
	s10 =	sld [smem:$0x3FB8];
	_ =	sdelay $0x3  }
0x37: {  	[smem:$0x3FB8] =	sst s10  }
0x38: {  	s10 =	sld [smem:$0x3FB9]  }
0x39: {  	_ = 	snop;
	(pc) =	sbr.ind lr, $3  }
0x3a: {  	_ = 	snop  }
0x3b: {  	_ = 	snop  }
0x3c: {  	p2 =	seq.s32 s10, $0x1;
	s10 =	sld [smem:$0x3FB8]  }
0x3d: {  	_ =	shalt  }
0x3e: {  	_ =	shalt  }
0x3f: {  	_ =	shalt  }
0x40: {  	_ =	shalt  }
0x41: {  	_ =	shalt  }
0x42: {  	_ =	shalt  }
0x43: {  	_ =	shalt  }
0x44: {  	_ =	shalt  }
0x45: {  	_ =	shalt  }
0x46: {  	_ =	shalt  }
0x47: {  	_ =	shalt  }
0x48: {  	_ =	shalt  }
0x49: {  	_ =	shalt  }
0x4a: {  	_ =	shalt  }
0x4b: {  	_ =	shalt  }
0x4c: {  	_ =	shalt  }
0x4d: {  	_ =	shalt  }
0x4e: {  	_ =	shalt  }
0x4f: {  	_ =	shalt  }
0x50: {  	_ =	shalt  }
0x51: {  	_ =	shalt  }
0x52: {  	_ =	shalt  }
0x53: {  	_ =	shalt  }
0x54: {  	_ =	shalt  }
0x55: {  	_ =	shalt  }
0x56: {  	_ =	shalt  }
0x57: {  	_ =	shalt  }
0x58: {  	_ =	shalt  }
0x59: {  	_ =	shalt  }
0x5a: {  	_ =	shalt  }
0x5b: {  	_ =	shalt  }
0x5c: {  	_ =	shalt  }
0x5d: {  	_ =	shalt  }
0x5e: {  	_ =	shalt  }
0x5f: {  	_ =	shalt  }
0x60: {  	_ =	shalt  }
0x61: {  	_ =	shalt  }
0x62: {  	_ =	shalt  }
0x63: {  	_ =	shalt  }
0x64: {  	_ =	shalt  }
0x65: {  	_ =	shalt  }
0x66: {  	_ =	shalt  }
0x67: {  	_ =	shalt  }
0x68: {  	_ =	shalt  }
0x69: {  	_ =	shalt  }
0x6a: {  	_ =	shalt  }
0x6b: {  	_ =	shalt  }
0x6c: {  	_ =	shalt  }
0x6d: {  	_ =	shalt  }
0x6e: {  	_ =	shalt  }
0x6f: {  	_ =	shalt  }
0x70: {  	_ =	shalt  }
0x71: {  	_ =	shalt  }
0x72: {  	_ =	shalt  }
0x73: {  	_ =	shalt  }
0x74: {  	_ =	shalt  }
0x75: {  	_ =	shalt  }
0x76: {  	_ =	shalt  }
0x77: {  	_ =	shalt  }
0x78: {  	_ =	shalt  }
0x79: {  	_ =	shalt  }
0x7a: {  	_ =	shalt  }
0x7b: {  	_ =	shalt  }
0x7c: {  	_ =	shalt  }
0x7d: {  	_ =	shalt  }
0x7e: {  	_ =	shalt  }
0x7f: {  	_ =	shalt  }
0x80: {  	_ =	shalt  }
0x81: {  	_ =	shalt  }
0x82: {  	_ =	shalt  }
0x83: {  	_ =	shalt  }
0x84: {  	_ =	shalt  }
0x85: {  	_ =	shalt  }
0x86: {  	_ =	shalt  }
0x87: {  	_ =	shalt  }
.Lfunc_end0:
.L_simem_size_0:
called_computation_lowered:
.L_overlay_start_0:
0x88: {  	s2 =	sld [smem:$0x3FD9]  }
0x89: {  	s3 =	sld [smem:$0x3FFE];
	_ =	sdelay $0x1  }
0x8a: {  	s1 =	srdreg.scid  }
0x8b: {  	s0 =	sand.u32 $0x1, s1  }
0x8c: {  	s17 =	sshll.u32 s0, $0xA;
	s2 =	sadd.s32 s3, s2  }
0x8d: {  	s2 =	sadd.s32 s2, s17  }
0x8e: {  	[smem:$0x3FC4] =	sst s2  }
0x8f: {  	_ = 	snop  }
0x90: {  	s2 =	sld [smem:$0x3FD0];
	(tm) =	ssettm $0x1  }
0x91: {  	s18 =	sld [smem:$0x3FFB];
	_ =	sdelay $0x3  }
0x92: {  	_ =	strace s18  }
0x93: {  	s3 =	sld [smem:$0x3FFC];
	_ =	sdelay $0x3  }
0x94: {  	_ =	strace s3  }
0x95: {  	s3 =	sld [smem:$0x3FFD];
	_ =	sdelay $0x3  }
0x96: {  	_ =	strace s3  }
0x97: {  	_ =	strace $0x8FFFFFFF  }
0x98: {  	s19 =	sld [smem:$0x3FDB];
	_ =	sdelay $0x1  }
0x99: {  	s4 =	simm.s32 $_scs_section_size  }
0x9a: {  	s5 =	simm.s32 $_size__tile_overlayer_lowered;
	s6 =	simm.s32 $_tile_overlayer_lowered  }
0x9b: {  	s22 =	simm.s32 $0x1BFF;
	s21 =	sshll.u32 s6, $0x1;
	s3 =	sadd.s32 s4, s19  }
0x9c: {  	s7 =	simm.s32 $0x0;
	s20 =	sshll.u32 s5, $0x1;
	s5 =	sadd.s32 s21, s3  }
0x9d: {  	[timem:s7], [sflag:s22] =	dma.local [hbm:s5], s20  }
0x9e: {  	_ =	swait.ge [sflag:s22], s20  }
0x9f: {  	s4 =	ssub.s32 $0x0, s20;
	[sflag:s22] =	ssyncset.done $0x0  }
0xa0: {  	[sflag:s22] =	ssyncadd.s32 s4;
	_ =	sdelay $0x1  }
0xa1: {  	s23 =	simm.s32 $0x1B8B  }
0xa2: {  	_ =	swait.ge [sflag:s23], $0x1  }
0xa3: {  	[sflag:s23] =	ssyncset.done $0x0  }
0xa4: {  	s25 =	simm.s32 $0x1B8E;
	s24 =	sld [smem:$0x3FFE];
	[sflag:s23] =	ssyncadd.s32 $0xFFFFFFFF  }
0xa5: {  	s26 =	simm.s32 $execute0_lowered;
	[smem:$0x3FD2] =	sst s25  }
0xa6: {  	s5 =	sshll.u32 s26, $0x1;
	_ =	strace $0x80000046;
	[dreg:$0x1] =	wrdreg $0xFFFFFFFF  }
0xa7: {  	s28 =	simm.s32 $_size_execute0_lowered;
	s3 =	sadd.s32 s3, s5;
	[dreg:$0x0] =	wrdreg $0x0  }
0xa8: {  	s5 =	sshll.u32 s28, $0x1;
	[dreg:$0x2] =	wrdreg s3  }
0xa9: {  	[dreg:$0x3] =	wrdreg s5  }
0xaa: {  	[dreg:$0x4] =	wrdreg $0xC0  }
0xab: {  	_ =	task [dreg:s7], $0x5FFFF  }
0xac: {  	[dreg:$0x1] =	wrdreg $0xFFFFFFFF  }
0xad: {  	[dreg:$0x0] =	wrdreg $0x60  }
0xae: {  	[dreg:$0x2] =	wrdreg s24  }
0xaf: {  	[dreg:$0x3] =	wrdreg s2  }
0xb0: {  	[dreg:$0x4] =	wrdreg $0x164800  }
0xb1: {  	[dreg:$0x5] =	wrdreg $0x9  }
0xb2: {  	_ =	task.clear_ibuf [dreg:s7], $0x6FFFF;
	_ =	strace $0x90000046  }
0xb3: {  	s29 =	simm.s32 $0x9;
	_ =	strace $0x80000048  }
0xb4: {  	_ =	swait.ge [sflag:s29], $0x1  }
0xb5: {  	[sflag:s29] =	ssyncadd.s32 $0xFFFFFFFF  }
0xb6: {  	_ =	strace $0x90000048  }
0xb7: {  	_ =	sfence  }
0xb8: {  	s30 =	sld [smem:$0x0];
	_ =	sdelay $0x2  }
0xb9: {  	s31 =	sshll.u32 s1, $0xD;
	s1 =	sshrl.u32 s1, $0x2  }
0xba: {  	s3 =	sand.u32 $0x4000, s31;
	s1 =	sadd.s32 s1, s30  }
0xbb: {  	s0 =	sor.u32 s3, s0;
	s1 =	sshll.u32 s1, $0x11  }
0xbc: {  	s0 =	sor.u32 s1, s0  }
0xbd: {  	s0 =	sadd.s32 $0x8F2B, s0  }
0xbe: {  	[sflag:s0] =	ssyncadd.remote.s32 $0x1  }
0xbf: {  	_ =	sfence.sel $0xFFFF  }
0xc0: {  	[dreg:$0x0] =	wrdreg $0xFFFFFFFF;
	(pc) =	sbr.abs _section_cstart, $3  }
0xc1: {  	[dreg:$0x1] =	wrdreg $0xFFFFFFFF  }
0xc2: {  	_ =	task.clear_ibuf [dreg:s7], $0x2FFFF;
	_ =	strace $0x9FFFFFFF  }
0xc3: {  	(tm) =	ssettm $0x7FFFFFFF  }
tec
execute0_lowered:
.L_overlay_start_1:
0x0: {  	(tag) =	ssettag $0x1  }
0x1: {  	s4 =	rddreg [dreg:$0x0]  }
0x2: {  	s6 =	rddreg [dreg:$0x1]  }
0x3: {  	s0 =	srdreg.scid;
	s2 =	rddreg [dreg:$0x2]  }
0x4: {  	s1 =	stileid.u32;
	s3 =	simm.s32 $0x0;
	s12 =	simm.s32 $0x50  }
0x5: {  	s13 =	simm.s32 $0x16400;
	s5 =	sand.u32 $0x1, s0;
	s0 =	rddreg [dreg:$0x3]  }
0x6: {  	s14 =	simm.s32 $0x0;
	[smem:$0x7FF] =	sst s3;
	s8 =	sshll.u32 s1, $0x7  }
0x7: {  	s11 =	sshll.u32 s1, $0xA;
	p0 =	sgt.u32 s1, $0x9;
	s7 =	sshll.u32 s5, $0x4  }
0x8: {  	s9 =	ssub.s32 $0x2, s5;
	s5 =	smul.u32 $0x2800, s5;
	s7 =	sor.u32 s1, s7  }
0x9: {  	_ =	strace $0x80000047;
	s10 =	sshrl.u32 s9, $0x1;
	s7 =	smul.u32 $0x2780, s7  }
0xa: {  	s29 =	ssub.s32 s9, s10;
	s9 =	sadd.s32 s11, s2;
	s30 =	sadd.s32 s11, s5  }
0xb: {  	s10 =	sshll.u32 @!p0 s1, $0x6;
	s11 =	simm.s32 $0x13C00;
	s31 =	sshrl.u32 s30, $0x3  }
0xc: {  	v0 =	vlaneseq.u32;
	s9 =	sshrl.u32 @!p0 s9, $0x3;
	s7 =	sadd.s32 s7, s4;
	s4 =	sadd.s32 s8, s4  }
0xd: {  	v1 =	vimm.f32 $0.0e+00;
	v6 =	vimm.f32 $1.000000000e+00;
	v2 =	vor.u32 $0x10, v0;
	s6 =	sadd.s32 s6, s31;
	s8 =	sor.u32 @!p0 $0x1C01, s10;
	s10 =	simm.s32 $0x1  }
0xe: {  	v3 =	vor.u32 $0x20, v0;
	v4 =	vor.u32 $0x30, v0;
	v5 =	vor.u32 $0x40, v0;
	s4 =	sadd.s32 $0x50000, s4;
	s5 =	sadd.s32 $0x1000, s7;
	s7 =	smax.u32 s29, $0x1  }
.LBB2_1:
0xf: {  	[spmem:s9], [sflag:s8] =	dma.local @!p0 [hbm:s4], $0x80  }
0x10: {  	s15 =	simm.s32 @!p0 $0x1  }
0x11: {  	_ =	swait.ge @!p0 [sflag:s15], $0x80  }
0x12: {  	[sflag:s15] =	ssyncset.done @!p0 $0x0  }
0x13: {  	[sflag:s15] =	ssyncadd.s32 @!p0 $0xFFFFFF80  }
0x14: {  	[tilespmem:s3], [sflag:$0x1] =	stream.linear.gather [hbm4b:s5+s3], $0x13880, $0x38;
	[tilespmem:$0x16700] =	vst v63  }
0x15: {  	_ =	swait.ge [sflag:s10], $0x13880  }
0x16: {  	[sflag:s10] =	ssyncset.done $0x0  }
0x17: {  	s16 =	simm.s32 $0x3C0;
	s15 =	simm.s32 $0x70;
	[sflag:s10] =	ssyncadd.s32 $0xFFFEC780  }
.LBB2_2:
0x18: {  	p1 =	sne.s32 s16, $0x9FC0;
	[tilespmem:s15+$0x13C00] =	vst v1  }
0x19: {  	[tilespmem:s15+$0x13B90] =	vst v1  }
0x1a: {  	[tilespmem:s15+$0x13BA0] =	vst v1  }
.Ltmp0:
0x1b: {  	[tilespmem:s15+$0x13BB0] =	vst v1;
	(pc) =	sbr.rel @p1 .LBB2_2-.Ltmp0, $4  }
0x1c: {  	[tilespmem:s15+$0x13BC0] =	vst v1  }
0x1d: {  	[tilespmem:s15+$0x13BD0] =	vst v1  }
0x1e: {  	[tilespmem:s15+$0x13BE0] =	vst v1  }
0x1f: {  	[tilespmem:s15+$0x13BF0] =	vst v1;
	s15 =	sshra.s32 s16, $0x2;
	s16 =	sadd.s32 $0x200, s16  }
0x20: {  	[tilespmem:s15+$0x13C00] =	vst v1  }
0x21: {  	[tilespmem:s15+$0x13B90] =	vst v1  }
0x22: {  	[tilespmem:s15+$0x13BA0] =	vst v1  }
0x23: {  	[tilespmem:s15+$0x13BB0] =	vst v1  }
0x24: {  	[tilespmem:s15+$0x13BC0] =	vst v1  }
0x25: {  	[tilespmem:s15+$0x13BD0] =	vst v1  }
0x26: {  	[tilespmem:s15+$0x13BE0] =	vst v1  }
0x27: {  	[tilespmem:s15+$0x13BF0] =	vst v1  }
0x28: {  	[tilespmem:$0x16400] =	vst v0  }
0x29: {  	[tilespmem:$0x16410] =	vst v2  }
0x2a: {  	[tilespmem:$0x16420] =	vst v3  }
0x2b: {  	[tilespmem:$0x16430] =	vst v4  }
0x2c: {  	s16 =	simm.s32 $0x0;
	s15 =	simm.s32 $0x200;
	[tilespmem:$0x16440] =	vst v5  }
.LBB2_4:
0x2d: {  	p1 =	sne.s32 s15, $0x4E000;
	v7 =	vld [tilespmem:s16+$0x0];
	_ =	sdelay $0x3  }
.Ltmp1:
0x2e: {  	(pc) =	sbr.rel @p1 .LBB2_4-.Ltmp1, $2  }
0x2f: {  	_ =	sdelay $0x2  }
0x30: {  	s16 =	sshra.s32 s15, $0x2;
	s15 =	sadd.s32 $0x200, s15;
	[tilespmem:v7+s11+$0x0] =	vst.idx.add.f32.msk $0xffff, v6  }
0x31: {  	v7 =	vld [tilespmem:s16+$0x0];
	_ =	sdelay $0x7  }
0x32: {  	[tilespmem:v7+s11+$0x0] =	vst.idx.add.f32.msk $0xffff, v6  }
0x33: {  	[bflag:$0x0] =	sbarrier.arrive $0xFFFF  }
0x34: {  	[spmem:s2] =	stream.indirect.scatter.add.f32 [tilespmem:s11], [sflag:$0x1], $0x80, s13, s12, $0xb8;
	[tilespmem:$0x16700] =	vst v63  }
0x35: {  	_ =	swait.ge [sflag:s10], $0x2800  }
0x36: {  	s14 =	sadd.s32 $0x1, s14;
	[sflag:s10] =	ssyncset.done $0x0  }
0x37: {  	p1 =	sne.s32 s14, s7;
	[sflag:s10] =	ssyncadd.s32 $0xFFFFD800  }
.Ltmp2:
0x38: {  	s15 =	simm.s32 @!p0 $0x1;
	[bflag:$0x0] =	sbarrier.arrive $0xFFFF;
	(pc) =	sbr.rel @p1 .LBB2_1-.Ltmp2, $4  }
0x39: {  	[hbm:s6], [sflag:s8] =	dma.local @!p0 [spmem:s9], $0x80  }
0x3a: {  	_ =	swait.ge @!p0 [sflag:s15], $0x80  }
0x3b: {  	[sflag:s15] =	ssyncset.done @!p0 $0x0  }
0x3c: {  	[sflag:s15] =	ssyncadd.s32 @!p0 $0xFFFFFF80  }
0x3d: {  	_ =	sfence.sel $0x180000  }
0x3e: {  	[bflag:$0x0] =	sbarrier.arrive $0xFFFF  }
0x3f: {  	p0 =	sne.s32 s1, $0x0;
	_ =	strace $0x90000047  }
0x40: {  	s0 =	sadd.s32 @!p0 $0x100000, s0;
	[bflag:$0x2] =	sbarrier.arrive $0xFFFF  }
0x41: {  	[sflag:s0] =	ssyncadd.tile.s32 @!p0 $0x1;
	_ =	shalt  }
.Lfunc_end2:
_tile_overlayer_lowered:
.L_overlay_start_2:
0x42: {  	(tag) =	ssettag $0x2  }
0x43: {  	s0 =	rddreg [dreg:$0x0];
	s2 =	stileid.u32  }
0x44: {  	s1 =	rddreg [dreg:$0x1];
	p0 =	sne.s32 s2, $0x0  }
0x45: {  	s3 =	rddreg [dreg:$0x2];
	[bflag:$0x3] =	sbarrier.arrive $0xFFFF;
	s2 =	simm.s32 @!p0 $0x1C01  }
0x46: {  	[timem:s3], [sflag:s2] =	dma.local @!p0 [hbm:s0], s1  }
0x47: {  	s0 =	simm.s32 @!p0 $0x1  }
0x48: {  	_ =	swait.ge @!p0 [sflag:s0], s1  }
0x49: {  	s1 =	ssub.s32 @!p0 $0x0, s1;
	[sflag:s0] =	ssyncset.done @!p0 $0x0  }
0x4a: {  	[sflag:s0] =	ssyncadd.s32 @!p0 s1  }
0x4b: {  	[bflag:$0x3] =	sbarrier.arrive $0xFFFF  }
0x4c: {  	_ =	shalt  }

// kernel: kernel.9.cloned.1.call-start
scs
__scs_entry_jumppad:
0x0: {  	(pc) =	sbr.rel $0x88, $3  }
0x1: {  	(tag) =	ssettag $0x0;
	lr =	simm.s32 $0x1  }
0x2: {  	[smem:$0x3F9D] =	sst lr;
	_ =	strace $0xD0000000  }
0x3: {  	_ = 	snop  }
0x4: {  	_ = 	snop  }
0x5: {  	_ = 	snop  }
0x6: {  	_ = 	snop  }
0x7: {  	_ = 	snop  }
__scs_overlays_trampoline_lowered:
0x8: {  	[smem:$0x3FAC] =	sst s0  }
0x9: {  	[smem:$0x3FAD] =	sst s1  }
0xa: {  	[smem:$0x3FAE] =	sst s2  }
0xb: {  	[smem:$0x3FAF] =	sst s3  }
0xc: {  	[smem:$0x3FB0] =	sst s4  }
0xd: {  	[smem:$0x3FB1] =	sst s5  }
0xe: {  	[smem:$0x3FB2] =	sst s6  }
0xf: {  	[smem:$0x3FB3] =	sst s7  }
0x10: {  	[smem:$0x3FB4] =	sst s8  }
0x11: {  	[smem:$0x3FB5] =	sst s9;
	s0 =	simm.s32 @!p0 $0x0  }
0x12: {  	s1 =	sld [smem:$0x3F9B];
	s0 =	simm.s32 @p0 $0x1  }
0x13: {  	[smem:$0x3FB6] =	sst s0;
	s0 =	simm.s32 @!p1 $0x0  }
0x14: {  	s2 =	sld [smem:$0x3F9A];
	s0 =	simm.s32 @p1 $0x1  }
0x15: {  	[smem:$0x3FB7] =	sst s0;
	s0 =	simm.s32 @!p2 $0x0  }
0x16: {  	s3 =	sld [smem:$0x3FDB];
	s0 =	simm.s32 @p2 $0x1  }
0x17: {  	s4 =	simm.s32 $0x1BF5;
	[smem:$0x3FB9] =	sst s0  }
0x18: {  	s0 =	sld [smem:$0x3F9C];
	_ =	swait.ge [sflag:s4], $0x0  }
0x19: {  	s7 =	sld [smem:$0x3F9D]  }
0x1a: {  	s8 =	sadd.s32 $0xFFFFE003, lr  }
0x1b: {  	s9 =	sadd.s32 $0xFFFFFEF7, lr;
	s5 =	simm.s32 $0xFFFFFFFF;
	p2 =	slt.u32 s8, $0xFFFFF086  }
0x1c: {  	p1 =	slt.u32 s9, $0xF7A;
	s5 =	simm.s32 @!p2 $0x0  }
0x1d: {  	s5 =	simm.s32 @p1 $0x1;
	p0 =	seq.s32 s7, s2  }
0x1e: {  	s7 =	smul.u32 @!p0 $0xF7A, s2;
	p2 =	seq.s32 @!p0 s5, $0x0  }
0x1f: {  	s9 =	smul.u32 $0xF7A, s1;
	s8 =	simm.s32 @!p0 $0x1BF5;
	p2 =	por !p2, p0  }
0x20: {  	[sflag:s8] =	ssyncset.s32 @!p0 $0xFFFFF086;
	s6 =	sadd.s32 @!p0 s3, s7;
	s7 =	simm.s32 @!p0 $0x108  }
0x21: {  	s3 =	sadd.s32 s3, s9;
	s6 =	sadd.s32 @!p0 $0x88, s6;
	s7 =	simm.s32 @p2 $0x1082  }
0x22: {  	[simem:s7], [sflag:s8] =	dma.local @!p0 [hbm:s6], $0xF7A  }
0x23: {  	s9 =	sor.u32 $0xD0000000, s2;
	s6 =	simm.s32 $0x108;
	_ =	swait.ge @!p0 [sflag:s8], $0x0  }
0x24: {  	s3 =	sadd.s32 $0x88, s3;
	s6 =	simm.s32 @!p1 $0x1082;
	[sflag:s4] =	ssyncset.s32 $0xFFFFF086  }
0x25: {  	[simem:s6], [sflag:s4] =	dma.local [hbm:s3], $0xF7A  }
0x26: {  	[smem:$0x3F9D] =	sst s1;
	(tag) =	ssettag s2;
	_ =	strace s9  }
0x27: {  	s1 =	sld [smem:$0x3FAD]  }
0x28: {  	s2 =	sld [smem:$0x3FAE]  }
0x29: {  	s4 =	sld [smem:$0x3FB0]  }
0x2a: {  	p0 =	seq.s32 s5, $0x0;
	s5 =	sld [smem:$0x3FB1]  }
0x2b: {  	s6 =	sld [smem:$0x3FB2]  }
0x2c: {  	s7 =	sld [smem:$0x3FB3]  }
0x2d: {  	s3 =	simm.s32 $0x108;
	s8 =	sld [smem:$0x3FB4]  }
0x2e: {  	s3 =	simm.s32 @!p0 $0x1082;
	s9 =	sld [smem:$0x3FB5]  }
0x2f: {  	lr =	sadd.s32 s0, s3;
	s0 =	sld [smem:$0x3FAC]  }
0x30: {  	s3 =	sld [smem:$0x3FAF]  }
0x31: {  	[smem:$0x3FB8] =	sst s10  }
0x32: {  	s10 =	sld [smem:$0x3FB6];
	_ =	sdelay $0x3  }
0x33: {  	p0 =	seq.s32 s10, $0x1;
	s10 =	sld [smem:$0x3FB8];
	_ =	sdelay $0x3  }
0x34: {  	[smem:$0x3FB8] =	sst s10  }
0x35: {  	s10 =	sld [smem:$0x3FB7];
	_ =	sdelay $0x3  }
0x36: {  	p1 =	seq.s32 s10, $0x1;
	s10 =	sld [smem:$0x3FB8];
	_ =	sdelay $0x3  }
0x37: {  	[smem:$0x3FB8] =	sst s10  }
0x38: {  	s10 =	sld [smem:$0x3FB9]  }
0x39: {  	_ = 	snop;
	(pc) =	sbr.ind lr, $3  }
0x3a: {  	_ = 	snop  }
0x3b: {  	_ = 	snop  }
0x3c: {  	p2 =	seq.s32 s10, $0x1;
	s10 =	sld [smem:$0x3FB8]  }
0x3d: {  	_ =	shalt  }
0x3e: {  	_ =	shalt  }
0x3f: {  	_ =	shalt  }
0x40: {  	_ =	shalt  }
0x41: {  	_ =	shalt  }
0x42: {  	_ =	shalt  }
0x43: {  	_ =	shalt  }
0x44: {  	_ =	shalt  }
0x45: {  	_ =	shalt  }
0x46: {  	_ =	shalt  }
0x47: {  	_ =	shalt  }
0x48: {  	_ =	shalt  }
0x49: {  	_ =	shalt  }
0x4a: {  	_ =	shalt  }
0x4b: {  	_ =	shalt  }
0x4c: {  	_ =	shalt  }
0x4d: {  	_ =	shalt  }
0x4e: {  	_ =	shalt  }
0x4f: {  	_ =	shalt  }
0x50: {  	_ =	shalt  }
0x51: {  	_ =	shalt  }
0x52: {  	_ =	shalt  }
0x53: {  	_ =	shalt  }
0x54: {  	_ =	shalt  }
0x55: {  	_ =	shalt  }
0x56: {  	_ =	shalt  }
0x57: {  	_ =	shalt  }
0x58: {  	_ =	shalt  }
0x59: {  	_ =	shalt  }
0x5a: {  	_ =	shalt  }
0x5b: {  	_ =	shalt  }
0x5c: {  	_ =	shalt  }
0x5d: {  	_ =	shalt  }
0x5e: {  	_ =	shalt  }
0x5f: {  	_ =	shalt  }
0x60: {  	_ =	shalt  }
0x61: {  	_ =	shalt  }
0x62: {  	_ =	shalt  }
0x63: {  	_ =	shalt  }
0x64: {  	_ =	shalt  }
0x65: {  	_ =	shalt  }
0x66: {  	_ =	shalt  }
0x67: {  	_ =	shalt  }
0x68: {  	_ =	shalt  }
0x69: {  	_ =	shalt  }
0x6a: {  	_ =	shalt  }
0x6b: {  	_ =	shalt  }
0x6c: {  	_ =	shalt  }
0x6d: {  	_ =	shalt  }
0x6e: {  	_ =	shalt  }
0x6f: {  	_ =	shalt  }
0x70: {  	_ =	shalt  }
0x71: {  	_ =	shalt  }
0x72: {  	_ =	shalt  }
0x73: {  	_ =	shalt  }
0x74: {  	_ =	shalt  }
0x75: {  	_ =	shalt  }
0x76: {  	_ =	shalt  }
0x77: {  	_ =	shalt  }
0x78: {  	_ =	shalt  }
0x79: {  	_ =	shalt  }
0x7a: {  	_ =	shalt  }
0x7b: {  	_ =	shalt  }
0x7c: {  	_ =	shalt  }
0x7d: {  	_ =	shalt  }
0x7e: {  	_ =	shalt  }
0x7f: {  	_ =	shalt  }
0x80: {  	_ =	shalt  }
0x81: {  	_ =	shalt  }
0x82: {  	_ =	shalt  }
0x83: {  	_ =	shalt  }
0x84: {  	_ =	shalt  }
0x85: {  	_ =	shalt  }
0x86: {  	_ =	shalt  }
0x87: {  	_ =	shalt  }
.Lfunc_end0:
.L_simem_size_0:
called_computation.1_lowered:
.L_overlay_start_0:
0x88: {  	s2 =	sld [smem:$0x3FD9]  }
0x89: {  	s3 =	sld [smem:$0x3FFE];
	_ =	sdelay $0x1  }
0x8a: {  	s1 =	srdreg.scid  }
0x8b: {  	s0 =	sand.u32 $0x1, s1  }
0x8c: {  	s17 =	sshll.u32 s0, $0xA;
	s2 =	sadd.s32 s3, s2  }
0x8d: {  	s2 =	sadd.s32 s2, s17  }
0x8e: {  	[smem:$0x3FC4] =	sst s2  }
0x8f: {  	_ = 	snop  }
0x90: {  	s2 =	sld [smem:$0x3FD0];
	(tm) =	ssettm $0x1  }
0x91: {  	s18 =	sld [smem:$0x3FFB];
	_ =	sdelay $0x3  }
0x92: {  	_ =	strace s18  }
0x93: {  	s3 =	sld [smem:$0x3FFC];
	_ =	sdelay $0x3  }
0x94: {  	_ =	strace s3  }
0x95: {  	s3 =	sld [smem:$0x3FFD];
	_ =	sdelay $0x3  }
0x96: {  	_ =	strace s3  }
0x97: {  	_ =	strace $0x8FFFFFFF  }
0x98: {  	s19 =	sld [smem:$0x3FDB];
	_ =	sdelay $0x1  }
0x99: {  	s4 =	simm.s32 $_scs_section_size  }
0x9a: {  	s5 =	simm.s32 $_size__tile_overlayer_lowered;
	s6 =	simm.s32 $_tile_overlayer_lowered  }
0x9b: {  	s22 =	simm.s32 $0x1BFF;
	s21 =	sshll.u32 s6, $0x1;
	s3 =	sadd.s32 s4, s19  }
0x9c: {  	s7 =	simm.s32 $0x0;
	s20 =	sshll.u32 s5, $0x1;
	s5 =	sadd.s32 s21, s3  }
0x9d: {  	[timem:s7], [sflag:s22] =	dma.local [hbm:s5], s20  }
0x9e: {  	_ =	swait.ge [sflag:s22], s20  }
0x9f: {  	s4 =	ssub.s32 $0x0, s20;
	[sflag:s22] =	ssyncset.done $0x0  }
0xa0: {  	[sflag:s22] =	ssyncadd.s32 s4;
	_ =	sdelay $0x1  }
0xa1: {  	s23 =	simm.s32 $0x1B8B  }
0xa2: {  	_ =	swait.ge [sflag:s23], $0x1  }
0xa3: {  	[sflag:s23] =	ssyncset.done $0x0  }
0xa4: {  	s25 =	simm.s32 $0x1B8E;
	s24 =	sld [smem:$0x3FFE];
	[sflag:s23] =	ssyncadd.s32 $0xFFFFFFFF  }
0xa5: {  	s26 =	simm.s32 $execute0_lowered;
	[smem:$0x3FD2] =	sst s25  }
0xa6: {  	s5 =	sshll.u32 s26, $0x1;
	_ =	strace $0x80000049;
	[dreg:$0x1] =	wrdreg $0xFFFFFFFF  }
0xa7: {  	s28 =	simm.s32 $_size_execute0_lowered;
	s3 =	sadd.s32 s3, s5;
	[dreg:$0x0] =	wrdreg $0x0  }
0xa8: {  	s5 =	sshll.u32 s28, $0x1;
	[dreg:$0x2] =	wrdreg s3  }
0xa9: {  	[dreg:$0x3] =	wrdreg s5  }
0xaa: {  	[dreg:$0x4] =	wrdreg $0xC0  }
0xab: {  	_ =	task [dreg:s7], $0x5FFFF  }
0xac: {  	[dreg:$0x1] =	wrdreg $0xFFFFFFFF  }
0xad: {  	[dreg:$0x0] =	wrdreg $0x60  }
0xae: {  	[dreg:$0x2] =	wrdreg s24  }
0xaf: {  	[dreg:$0x3] =	wrdreg s2  }
0xb0: {  	[dreg:$0x4] =	wrdreg $0x90000  }
0xb1: {  	[dreg:$0x5] =	wrdreg $0x9  }
0xb2: {  	_ =	task.clear_ibuf [dreg:s7], $0x6FFFF;
	_ =	strace $0x90000049  }
0xb3: {  	s29 =	simm.s32 $0x9;
	_ =	strace $0x8000004B  }
0xb4: {  	_ =	swait.ge [sflag:s29], $0x1  }
0xb5: {  	[sflag:s29] =	ssyncadd.s32 $0xFFFFFFFF  }
0xb6: {  	_ =	strace $0x9000004B  }
0xb7: {  	_ =	sfence  }
0xb8: {  	s30 =	sld [smem:$0x0];
	_ =	sdelay $0x2  }
0xb9: {  	s31 =	sshll.u32 s1, $0xD;
	s1 =	sshrl.u32 s1, $0x2  }
0xba: {  	s3 =	sand.u32 $0x4000, s31;
	s1 =	sadd.s32 s1, s30  }
0xbb: {  	s0 =	sor.u32 s3, s0;
	s1 =	sshll.u32 s1, $0x11  }
0xbc: {  	s0 =	sor.u32 s1, s0  }
0xbd: {  	s0 =	sadd.s32 $0x8F2B, s0  }
0xbe: {  	[sflag:s0] =	ssyncadd.remote.s32 $0x1  }
0xbf: {  	_ =	sfence.sel $0xFFFF  }
0xc0: {  	[dreg:$0x0] =	wrdreg $0xFFFFFFFF;
	(pc) =	sbr.abs _section_cstart, $3  }
0xc1: {  	[dreg:$0x1] =	wrdreg $0xFFFFFFFF  }
0xc2: {  	_ =	task.clear_ibuf [dreg:s7], $0x2FFFF;
	_ =	strace $0x9FFFFFFF  }
0xc3: {  	(tm) =	ssettm $0x7FFFFFFF  }
tec
execute0_lowered:
.L_overlay_start_1:
0x0: {  	(tag) =	ssettag $0x1  }
0x1: {  	s7 =	rddreg [dreg:$0x0]  }
0x2: {  	s2 =	rddreg [dreg:$0x1]  }
0x3: {  	s3 =	rddreg [dreg:$0x2]  }
0x4: {  	s0 =	rddreg [dreg:$0x3]  }
0x5: {  	s1 =	stileid.u32;
	s5 =	srdreg.scid  }
0x6: {  	s4 =	simm.s32 $0x0;
	s15 =	simm.s32 $0x7D;
	s16 =	simm.s32 $0x1000  }
0x7: {  	s17 =	simm.s32 $0x2;
	s18 =	simm.s32 $0x5000;
	s19 =	simm.s32 $0x3  }
0x8: {  	s20 =	simm.s32 $0x780;
	s21 =	simm.s32 $0x4;
	s22 =	simm.s32 $0x1  }
0x9: {  	s8 =	smul.u32 $0x14000, s1;
	s9 =	sand.u32 $0x1, s5;
	[smem:$0x7FF] =	sst s4  }
0xa: {  	s5 =	sadd.s32 $0x50600, s7;
	s6 =	sadd.s32 $0x5A600, s7;
	s12 =	smul.u32 $0x50000, s1  }
0xb: {  	s31 =	sshll.u32 s1, $0x6;
	s10 =	smul.u32 $0x140000, s9;
	_ =	strace $0x8000004A  }
0xc: {  	s26 =	ssub.s32 $0x2, s9;
	s29 =	sshll.u32 s9, $0x4;
	s11 =	sshrl.u32 s8, $0x3  }
0xd: {  	s28 =	sshrl.u32 s26, $0x1;
	s9 =	sor.u32 s1, s29;
	s30 =	sshrl.u32 s12, $0x2  }
.Ltmp0:
0xe: {  	s11 =	sadd.s32 s11, s7;
	s8 =	sadd.s32 s8, s10;
	(pc) =	sbr.rel .LBB2_1-.Ltmp0, $4  }
0xf: {  	s14 =	ssub.s32 s26, s28;
	s12 =	sadd.s32 s30, s3;
	s8 =	sshrl.u32 s8, $0x3  }
0x10: {  	s9 =	smul.u32 $0x2800, s9;
	s12 =	sshrl.u32 s12, $0x3;
	s13 =	sadd.s32 s8, s7  }
0x11: {  	s7 =	sadd.s32 $0x1000, s11;
	s8 =	sor.u32 $0x1C05, s31;
	s11 =	smax.u32 s14, $0x1  }
0x12: {  	s14 =	simm.s32 $0x800;
	s10 =	sadd.s32 $0x64600, s13;
	s13 =	simm.s32 $0x5  }
.LBB2_12:
0x13: {  	s4 =	sadd.s32 $0x1, s4  }
0x14: {  	p0 =	sne.s32 s4, s11  }
.Ltmp1:
0x15: {  	[bflag:$0x0] =	sbarrier.arrive $0xFFFF;
	(pc) =	sbr.rel @!p0 .LBB2_13-.Ltmp1, $4  }
0x16: {  	[hbm:s10], [sflag:s8] =	dma.local [spmem:s12], $0x2800  }
0x17: {  	_ =	swait.ge [sflag:s13], $0x2800  }
0x18: {  	[sflag:s13] =	ssyncset.done $0x0  }
0x19: {  	[sflag:s13] =	ssyncadd.s32 $0xFFFFD800  }
.LBB2_1:
0x1a: {  	[spmem:s12], [sflag:s8] =	dma.local [hbm:s7], $0x2800  }
.Ltmp2:
0x1b: {  	_ =	swait.ge [sflag:s13], $0x2800;
	(pc) =	sbr.rel .LBB2_2-.Ltmp2, $4  }
0x1c: {  	[sflag:s13] =	ssyncset.done $0x0  }
0x1d: {  	[sflag:s13] =	ssyncadd.s32 $0xFFFFD800  }
0x1e: {  	[bflag:$0x0] =	sbarrier.arrive $0xFFFF  }
0x1f: {  	s23 =	simm.s32 $0x0  }
.LBB2_11:
0x20: {  	_ =	swait.ge [sflag:s17], $0x3E80  }
0x21: {  	[sflag:s17] =	ssyncset.done $0x0  }
0x22: {  	s23 =	sadd.s32 $0x1, s23;
	[sflag:s17] =	ssyncadd.s32 $0xFFFFC180  }
0x23: {  	[spmem:s3] =	stream.indirect.scatter.add.f32 [tilespmem:s18], [sflag:$0x4], $0x80, s20, s15, $0xb8;
	[tilespmem:$0x1D000] =	vst v63  }
0x24: {  	p0 =	sne.s32 s23, $0x5;
	_ =	swait.ge [sflag:s19], $0x3E80  }
.Ltmp3:
0x25: {  	[sflag:s19] =	ssyncset.done $0x0;
	(pc) =	sbr.rel @!p0 .LBB2_12-.Ltmp3, $4  }
0x26: {  	[sflag:s19] =	ssyncadd.s32 $0xFFFFC180  }
0x27: {  	_ =	swait.ge [sflag:s21], $0x3E80  }
0x28: {  	[sflag:s21] =	ssyncset.done $0x0  }
0x29: {  	[sflag:s21] =	ssyncadd.s32 $0xFFFFC180  }
.LBB2_2:
0x2a: {  	s24 =	sshll.u32 s23, $0xB  }
0x2b: {  	s24 =	sadd.s32 s9, s24  }
0x2c: {  	s25 =	sshrl.u32 s24, $0x3  }
0x2d: {  	s24 =	simm.s32 $0x0;
	s26 =	sadd.s32 s5, s25  }
0x2e: {  	[tilespmem:s24], [sflag:$0x5] =	stream.linear.gather [hbm4b:s26+s24], $0x800, $0x38;
	[tilespmem:$0x1D000] =	vst v63  }
0x2f: {  	_ =	swait.ge [sflag:s13], $0x800  }
0x30: {  	[sflag:s13] =	ssyncset.done $0x0  }
0x31: {  	s25 =	sadd.s32 s6, s25;
	[sflag:s13] =	ssyncadd.s32 $0xFFFFF800  }
0x32: {  	[tilespmem:s14], [sflag:$0x5] =	stream.linear.gather [hbm4b:s25+s24], $0x800, $0x38;
	[tilespmem:$0x1D000] =	vst v63  }
.Ltmp4:
0x33: {  	_ = 	snop;
	(pc) =	sbr.rel .LBB2_3-.Ltmp4, $4  }
0x34: {  	_ =	swait.ge [sflag:s13], $0x800  }
0x35: {  	[sflag:s13] =	ssyncset.done $0x0  }
0x36: {  	s26 =	simm.s32 $0x0;
	s25 =	simm.s32 $0x880;
	[sflag:s13] =	ssyncadd.s32 $0xFFFFF800  }
0x37: {  	[tilespmem:s16], [sflag:$0x1] =	stream.indirect.gather [hbm4b:s2+s15], $0x80, s14, s15, $0xb8;
	[tilespmem:$0x1D000] =	vst v63  }
.LBB2_9:
0x38: {  	_ =	swait.ge [sflag:s17], $0x3E80  }
0x39: {  	[sflag:s17] =	ssyncset.done $0x0  }
0x3a: {  	[sflag:s17] =	ssyncadd.s32 $0xFFFFC180  }
0x3b: {  	[spmem:s3] =	stream.indirect.scatter.add.f32 [tilespmem:s18], [sflag:$0x4], $0x80, s24, s15, $0xb8;
	[tilespmem:$0x1D000] =	vst v63  }
0x3c: {  	_ =	swait.ge [sflag:s19], $0x3E80  }
0x3d: {  	[sflag:s19] =	ssyncset.done $0x0  }
0x3e: {  	[sflag:s19] =	ssyncadd.s32 $0xFFFFC180  }
0x3f: {  	[tilespmem:s16], [sflag:$0x1] =	stream.indirect.gather [hbm4b:s2+s15], $0x80, s25, s15, $0xb8;
	[tilespmem:$0x1D000] =	vst v63  }
.LBB2_10:
0x40: {  	s26 =	sadd.s32 $0x1, s26  }
0x41: {  	p0 =	sne.s32 s26, $0xF  }
.Ltmp5:
0x42: {  	_ = 	snop;
	(pc) =	sbr.rel @!p0 .LBB2_11-.Ltmp5, $2  }
0x43: {  	_ =	sdelay $0x2  }
0x44: {  	s24 =	sadd.s32 $0x80, s24;
	s25 =	sadd.s32 $0x80, s25  }
.LBB2_3:
0x45: {  	s28 =	sand.u32 $0x1, s26  }
0x46: {  	p0 =	seq.s32 s28, $0x1  }
.Ltmp6:
0x47: {  	_ = 	snop;
	(pc) =	sbr.rel @p0 .LBB2_9-.Ltmp6, $1  }
0x48: {  	_ =	sdelay $0x3  }
0x49: {  	p0 =	seq.s32 s26, $0xF  }
.Ltmp7:
0x4a: {  	_ = 	snop;
	(pc) =	sbr.rel @p0 .LBB2_7-.Ltmp7, $4  }
0x4b: {  	_ =	swait.ge [sflag:s22], $0x3E80  }
0x4c: {  	[sflag:s22] =	ssyncset.done $0x0  }
0x4d: {  	[sflag:s22] =	ssyncadd.s32 $0xFFFFC180  }
0x4e: {  	[spmem:s3] =	stream.indirect.scatter.add.f32 [tilespmem:s16], [sflag:$0x3], $0x80, s24, s15, $0xb8;
	[tilespmem:$0x1D000] =	vst v63  }
0x4f: {  	p0 =	sne.s32 s26, $0x0  }
.Ltmp8:
0x50: {  	_ = 	snop;
	(pc) =	sbr.rel @p0 .LBB2_8-.Ltmp8, $1  }
0x51: {  	_ =	sdelay $0x3  }
.Ltmp9:
0x52: {  	(pc) =	sbr.rel .LBB2_10-.Ltmp9, $2  }
0x53: {  	_ =	sdelay $0x2  }
0x54: {  	[tilespmem:s18], [sflag:$0x2] =	stream.indirect.gather [hbm4b:s2+s15], $0x80, s25, s15, $0xb8;
	[tilespmem:$0x1D000] =	vst v63  }
.LBB2_7:
.Ltmp10:
0x55: {  	(pc) =	sbr.rel .LBB2_10-.Ltmp10, $4  }
0x56: {  	_ =	swait.ge [sflag:s17], $0x3E80  }
0x57: {  	[sflag:s17] =	ssyncset.done $0x0  }
0x58: {  	[sflag:s17] =	ssyncadd.s32 $0xFFFFC180  }
0x59: {  	[spmem:s3] =	stream.indirect.scatter.add.f32 [tilespmem:s18], [sflag:$0x4], $0x80, s20, s15, $0xb8;
	[tilespmem:$0x1D000] =	vst v63  }
.LBB2_8:
0x5a: {  	p0 =	seq.s32 s28, $0x0  }
.Ltmp11:
0x5b: {  	_ = 	snop;
	(pc) =	sbr.rel @p0 .LBB2_10-.Ltmp11, $4  }
.Ltmp12:
0x5c: {  	_ =	swait.ge [sflag:s21], $0x3E80;
	(pc) =	sbr.rel @!p0 .LBB2_9-.Ltmp12, $4  }
0x5d: {  	[sflag:s21] =	ssyncset.done $0x0  }
0x5e: {  	[sflag:s21] =	ssyncadd.s32 $0xFFFFC180  }
0x5f: {  	[tilespmem:s18], [sflag:$0x2] =	stream.indirect.gather [hbm4b:s2+s15], $0x80, s25, s15, $0xb8;
	[tilespmem:$0x1D000] =	vst v63  }
0x60: {  	_ = 	snop  }
.LBB2_13:
0x61: {  	_ =	sfence.sel $0x180000  }
0x62: {  	[bflag:$0x0] =	sbarrier.arrive $0xFFFF  }
0x63: {  	p0 =	sne.s32 s1, $0x0;
	_ =	strace $0x9000004A  }
0x64: {  	s0 =	sadd.s32 @!p0 $0x100000, s0;
	[bflag:$0x2] =	sbarrier.arrive $0xFFFF  }
0x65: {  	[sflag:s0] =	ssyncadd.tile.s32 @!p0 $0x1;
	_ =	shalt  }
.Lfunc_end2:
_tile_overlayer_lowered:
.L_overlay_start_2:
0x66: {  	(tag) =	ssettag $0x2  }
0x67: {  	s0 =	rddreg [dreg:$0x0];
	s2 =	stileid.u32  }
0x68: {  	s1 =	rddreg [dreg:$0x1];
	p0 =	sne.s32 s2, $0x0  }
0x69: {  	s3 =	rddreg [dreg:$0x2];
	[bflag:$0x3] =	sbarrier.arrive $0xFFFF;
	s2 =	simm.s32 @!p0 $0x1C05  }
0x6a: {  	[timem:s3], [sflag:s2] =	dma.local @!p0 [hbm:s0], s1  }
0x6b: {  	s0 =	simm.s32 @!p0 $0x5  }
0x6c: {  	_ =	swait.ge @!p0 [sflag:s0], s1  }
0x6d: {  	s1 =	ssub.s32 @!p0 $0x0, s1;
	[sflag:s0] =	ssyncset.done @!p0 $0x0  }
0x6e: {  	[sflag:s0] =	ssyncadd.s32 @!p0 s1  }
0x6f: {  	[bflag:$0x3] =	sbarrier.arrive $0xFFFF  }
0x70: {  	_ =	shalt  }

</sc_bundles>
